<compile_context>
chip_gen: v7x
topology: tpu7x:2x2x1
jax: 0.10.2.dev20260603
libtpu: 0.0.44.dev20260713+nightly
codegen_flags: <defaults>
</compile_context>

<pallas_src>
import functools

import jax
import jax.numpy as jnp
from jax import lax
from jax.experimental import pallas as pl
from jax.experimental.pallas import tpu as pltpu
from jax.experimental.pallas import tpu_sc as plsc

N = 10000
E = 320000
D = 128
NPAD = 10240
NW = 32
EW = E // NW
CH = 64
NCH = 160
EPAD = NW * NCH * CH
RPW = NPAD // 16

_mesh = plsc.VectorSubcoreMesh(core_axis_name="c", subcore_axis_name="s")
_sc_params = pltpu.CompilerParams(needs_layout_passes=False)


@functools.partial(
    pl.kernel,
    out_type=jax.ShapeDtypeStruct((NW, NPAD), jnp.int32),
    mesh=_mesh,
    scratch_types=[
        pltpu.VMEM((EW,), jnp.int32),
        pltpu.VMEM((NPAD,), jnp.int32),
    ],
    compiler_params=_sc_params,
)
def _sc_hist(row_hbm, out_hbm, idx_v, hist_v):
    cid = lax.axis_index("c")
    sid = lax.axis_index("s")
    w = cid * 16 + sid
    pltpu.sync_copy(row_hbm.at[pl.ds(w * EW, EW)], idx_v)

    def zero_body(i, c):
        hist_v[pl.ds(i * 16, 16)] = jnp.zeros((16,), jnp.int32)
        return c

    lax.fori_loop(0, NPAD // 16, zero_body, 0)
    ones = jnp.ones((16,), jnp.int32)

    def body(i, c):
        idx = idx_v[pl.ds(i * 16, 16)]
        plsc.addupdate_scatter(hist_v, [idx], ones)
        return c

    lax.fori_loop(0, EW // 16, body, 0)
    pltpu.sync_copy(hist_v, out_hbm.at[w])


@functools.partial(
    pl.kernel,
    out_type=jax.ShapeDtypeStruct((2, NPAD, D), jnp.float32),
    mesh=_mesh,
    scratch_types=[
        pltpu.VMEM((NCH // 2, CH), jnp.int32),
        pltpu.VMEM((NCH // 2, CH), jnp.int32),
        pltpu.VMEM((CH, D), jnp.float32),
        pltpu.VMEM((CH, D), jnp.float32),
        pltpu.VMEM((CH, D), jnp.float32),
        pltpu.SemaphoreType.DMA,
        pltpu.SemaphoreType.DMA,
        pltpu.SemaphoreType.DMA,
        pltpu.SemaphoreType.DMA,
        pltpu.SemaphoreType.DMA,
        pltpu.SemaphoreType.DMA,
        pltpu.VMEM_SHARED((NPAD, D), jnp.float32),
    ],
    compiler_params=_sc_params,
)
def _sc_spmm(y_hbm, col_hbm, row_hbm, out_hbm, col_v, row_v, b0, b1, b2,
             sg0, sg1, sg2, ss0, ss1, ss2, agg_sh):
    cid = lax.axis_index("c")
    sid = lax.axis_index("s")
    w = cid * 16 + sid
    bufs = (b0, b1, b2)
    sgs = (sg0, sg1, sg2)
    sss = (ss0, ss1, ss2)
    HC = NCH // 2

    def zb(i, c):
        b0[i // 8, pl.ds((i % 8) * 16, 16)] = jnp.zeros((16,), jnp.float32)
        return c

    lax.fori_loop(0, CH * (D // 16), zb, 0)
    zcps = [
        pltpu.async_copy(b0, agg_sh.at[pl.ds(sid * RPW + i * CH, CH)], sg0)
        for i in range(RPW // CH)
    ]
    for cp in zcps:
        cp.wait()
    plsc.subcore_barrier()

    def gather(j, b):
        pltpu.async_copy(y_hbm.at[col_v.at[j]], bufs[b], sgs[b])

    def wait_gather(b):
        pltpu.make_async_copy(y_hbm.at[col_v.at[0]], bufs[b], sgs[b]).wait()

    def scatter(j, b):
        pltpu.async_copy(bufs[b], agg_sh.at[row_v.at[j]], sss[b], add=True)

    def wait_scatter(b):
        pltpu.make_async_copy(bufs[b], agg_sh.at[row_v.at[0]], sss[b]).wait()

    for h in range(2):
        pltpu.sync_copy(col_hbm.at[w, pl.ds(h * HC, HC)], col_v)
        pltpu.sync_copy(row_hbm.at[w, pl.ds(h * HC, HC)], row_v)
        gather(0, 0)
        gather(1, 1)
        wait_gather(0)
        scatter(0, 0)
        gather(2, 2)

        def trip(q, c):
            for u in range(3):
                j = 3 * q + 1 + u
                b = (1 + u) % 3
                wait_gather(b)
                scatter(j, b)
                nb = (b + 2) % 3
                wait_scatter(nb)

                @pl.when(j + 2 < HC)
                def _():
                    gather(j + 2, nb)
            return c

        lax.fori_loop(0, (HC - 2) // 3, trip, 0)
        b = (HC - 1) % 3
        wait_gather(b)
        scatter(HC - 1, b)
        wait_scatter((HC - 2) % 3)
        wait_scatter((HC - 1) % 3)

    plsc.subcore_barrier()
    wcps = [
        pltpu.async_copy(agg_sh.at[pl.ds(sid * RPW + i * 128, 128)],
                         out_hbm.at[cid, pl.ds(sid * RPW + i * 128, 128)],
                         sg0)
        for i in range(RPW // 128)
    ]
    for cp in wcps:
        cp.wait()


def _tc_scale_body(hist_ref, x_ref, y_ref):
    deg = jnp.sum(hist_ref[...], axis=0).astype(jnp.float32) + 1.0
    dinv = lax.rsqrt(deg)
    y_ref[pl.ds(0, N)] = x_ref[...] * dinv[:N, None]
    y_ref[pl.ds(N, NPAD - N)] = jnp.zeros((NPAD - N, D), jnp.float32)


def _tc_final_body(p_ref, x_ref, hist_ref, w_ref, g_ref, b_ref, o_ref):
    deg = (jnp.sum(hist_ref[...], axis=0).astype(jnp.float32) + 1.0)[:N]
    dinv = lax.rsqrt(deg)
    p = (p_ref[0] + p_ref[1])[:N]
    x = x_ref[...]
    agg = p * dinv[:, None] + x * (dinv * dinv)[:, None]
    h = lax.dot_general(agg, w_ref[...], (((1,), (1,)), ((), ())),
                        preferred_element_type=jnp.float32)
    h = jnp.maximum(h, 0.0)
    mean = jnp.mean(h, axis=0)
    var = jnp.mean((h - mean) ** 2, axis=0)
    hn = (h - mean) * lax.rsqrt(var + 1e-5) * g_ref[0] + b_ref[0]
    o_ref[...] = jnp.tanh(hn) + x


def kernel(x, edge_index, W, gamma, beta):
    row = edge_index[0].astype(jnp.int32)
    col = edge_index[1].astype(jnp.int32)

    hist = _sc_hist(row)

    y_pad = pl.pallas_call(
        _tc_scale_body,
        out_shape=jax.ShapeDtypeStruct((NPAD, D), jnp.float32),
    )(hist, x)

    pad = N + jnp.arange(EPAD - E, dtype=jnp.int32) % (NPAD - N)
    col_p = jnp.concatenate([col, pad]).reshape(NW, NCH, CH)
    row_p = jnp.concatenate([row, pad]).reshape(NW, NCH, CH)
    parts = _sc_spmm(y_pad, col_p, row_p)

    out = pl.pallas_call(
        _tc_final_body,
        out_shape=jax.ShapeDtypeStruct((N, D), jnp.float32),
    )(parts, x, hist, W, gamma.reshape(1, D), beta.reshape(1, D))
    return out

# --- scband reference (transcript-rebuilt; emitter-appended) ---
"""Pipeline reference for scband-conv-net-layer-51994874085711 (READ-ONLY COPY).

The authoritative reference and input builder live on the scoring server;
editing this copy changes nothing except your own understanding.
"""

import jax, jax.numpy as jnp
import numpy as np

N_NODES = 10000
N_EDGES = 320000
D = 128

def setup_inputs(seed: int = 0) -> dict:
    key = jax.random.key(seed)
    k1, k2, k3 = jax.random.split(key, 3)
    x = jax.random.normal(k1, (N_NODES, D), dtype=jnp.float32)
    edge_index = jax.random.randint(k2, (2, N_EDGES), 0, N_NODES, dtype=jnp.int32)
    # nn.Linear(node_dim, node_dim, bias=False) weight
    W = jax.random.normal(k3, (D, D), dtype=jnp.float32) * (1.0 / np.sqrt(D))
    # BatchNorm1d affine params (torch init: gamma=1, beta=0)
    gamma = jnp.ones((D,), dtype=jnp.float32)
    beta = jnp.zeros((D,), dtype=jnp.float32)
    return {"x": x, "edge_index": edge_index, "W": W, "gamma": gamma, "beta": beta}

def reference(x, edge_index, W, gamma, beta):
    N = x.shape[0]
    # build adjacency with self loops
    self_loops = jnp.arange(N, dtype=edge_index.dtype)
    row = jnp.concatenate([edge_index[0], self_loops])
    col = jnp.concatenate([edge_index[1], self_loops])
    ones = jnp.ones(row.shape[0], dtype=x.dtype)
    # degree = row-sum of adjacency (coalesce sums duplicates, same as segment_sum of ones)
    deg = jax.ops.segment_sum(ones, row, num_segments=N)
    deg_inv_sqrt = jnp.where(deg > 0, 1.0 / jnp.sqrt(deg), 0.0)
    # normalized edge values: D^{-1/2} A D^{-1/2}
    vals = deg_inv_sqrt[row] * deg_inv_sqrt[col]
    # sparse matvec: out[r] += vals * x[c]  (gather + scatter-add)
    agg = jax.ops.segment_sum(vals[:, None] * x[col], row, num_segments=N)
    # linear U (bias=False)
    h = agg @ W.T
    h = jax.nn.relu(h)
    # BatchNorm1d in training mode: batch statistics, biased variance, eps=1e-5
    mean = jnp.mean(h, axis=0)
    var = jnp.var(h, axis=0)
    h = (h - mean) / jnp.sqrt(var + 1e-5) * gamma + beta
    h = jnp.tanh(h)
    # residual
    h = h + x
    # dropout is identity in eval / deterministic reference
    return h

if __name__ == "__main__":
    import jax
    _d = setup_inputs()
    print(jax.jit(kernel)(*tuple(_d.values())))

</pallas_src>

<mosaic_0001>
#map = affine_map<(d0, d1) -> (0, 0)>
#map1 = affine_map<(d0, d1) -> (0, 0, 0)>
module attributes {stable_mosaic.version = 14 : i64} {
  func.func @_sc_spmm(%arg0: i32, %arg1: i32, %arg2: memref<10240x128xf32, #tpu.memory_space<hbm>>, %arg3: memref<32x160x64xi32, #tpu.memory_space<hbm>>, %arg4: memref<32x160x64xi32, #tpu.memory_space<hbm>>, %arg5: memref<2x10240x128xf32, #tpu.memory_space<hbm>>, %arg6: memref<80x64xi32, #tpu.memory_space<vmem>>, %arg7: memref<80x64xi32, #tpu.memory_space<vmem>>, %arg8: memref<64x128xf32, #tpu.memory_space<vmem>>, %arg9: memref<64x128xf32, #tpu.memory_space<vmem>>, %arg10: memref<64x128xf32, #tpu.memory_space<vmem>>, %arg11: memref<!tpu.dma_semaphore, #tpu.memory_space<semaphore_mem>>, %arg12: memref<!tpu.dma_semaphore, #tpu.memory_space<semaphore_mem>>, %arg13: memref<!tpu.dma_semaphore, #tpu.memory_space<semaphore_mem>>, %arg14: memref<!tpu.dma_semaphore, #tpu.memory_space<semaphore_mem>>, %arg15: memref<!tpu.dma_semaphore, #tpu.memory_space<semaphore_mem>>, %arg16: memref<!tpu.dma_semaphore, #tpu.memory_space<semaphore_mem>>, %arg17: memref<10240x128xf32, #tpu.memory_space<vmem_shared>>) attributes {dimension_semantics = [#tpu.dimension_semantics<core_parallel>, #tpu.dimension_semantics<subcore_parallel>], iteration_bounds = array<i64: 2, 16>, scalar_prefetch = 0 : i64, scratch_operands = 12 : i64, tpu.core_type = #tpu.core_type<sc_vector_subcore>, window_params = [{transform_indices = #map}, {transform_indices = #map1}, {transform_indices = #map1}, {transform_indices = #map1}]} {
    %mul3A = arith.constant 16 : i32
    %mul3A_0 = arith.muli %arg0, %mul3A : i32
    %add3A = arith.addi %mul3A_0, %arg1 : i32
    %scan3A = arith.constant 0 : i32
    %scan3A_1 = arith.constant 0 : i32
    %scan3A_2 = arith.constant 512 : i32
    %scan3A_3 = arith.addi %scan3A_1, %scan3A_2 : i32
    %scan3A_4 = arith.constant 1 : i32
    scf.for %scan3A_353 = %scan3A_1 to %scan3A_3 step %scan3A_4  : i32 {
      %broadcast_in_dim3A = arith.constant 0.000000e+00 : f32
      %broadcast_in_dim3A_354 = vector.broadcast %broadcast_in_dim3A : f32 to vector<16xf32>
      %jit3A = arith.constant 8 : i32
      %div3A = arith.divsi %scan3A_353, %jit3A : i32
      %sign3A = arith.constant 0 : i32
      %sign3A_355 = arith.cmpi sgt, %scan3A_353, %sign3A : i32
      %sign3A_356 = arith.extui %sign3A_355 : i1 to i32
      %sign3A_357 = arith.constant 0 : i32
      %sign3A_358 = arith.cmpi slt, %scan3A_353, %sign3A_357 : i32
      %sign3A_359 = arith.extui %sign3A_358 : i1 to i32
      %sign3A_360 = arith.subi %sign3A_356, %sign3A_359 : i32
      %sign3A_361 = arith.constant 0 : i32
      %sign3A_362 = arith.cmpi sgt, %jit3A, %sign3A_361 : i32
      %sign3A_363 = arith.extui %sign3A_362 : i1 to i32
      %sign3A_364 = arith.constant 0 : i32
      %sign3A_365 = arith.cmpi slt, %jit3A, %sign3A_364 : i32
      %sign3A_366 = arith.extui %sign3A_365 : i1 to i32
      %sign3A_367 = arith.subi %sign3A_363, %sign3A_366 : i32
      %ne3A = arith.cmpi ne, %sign3A_360, %sign3A_367 : i32
      %rem3A = arith.remsi %scan3A_353, %jit3A : i32
      %ne3A_368 = arith.constant 0 : i32
      %ne3A_369 = arith.cmpi ne, %rem3A, %ne3A_368 : i32
      %and3A = arith.andi %ne3A, %ne3A_369 : i1
      %sub3A = arith.constant 1 : i32
      %sub3A_370 = arith.subi %div3A, %sub3A : i32
      %select_n3A = arith.select %and3A, %sub3A_370, %div3A : i32
      %jit3A_371 = arith.constant 8 : i32
      %eq3A = arith.constant 0 : i32
      %eq3A_372 = arith.cmpi eq, %jit3A_371, %eq3A : i32
      %jit3A_373 = arith.constant 1 : i32
      %select_n3A_374 = arith.select %eq3A_372, %jit3A_373, %jit3A_371 : i32
      %rem3A_375 = arith.remsi %scan3A_353, %select_n3A_374 : i32
      %ne3A_376 = arith.constant 0 : i32
      %ne3A_377 = arith.cmpi ne, %rem3A_375, %ne3A_376 : i32
      %lt3A = arith.constant 0 : i32
      %lt3A_378 = arith.cmpi slt, %rem3A_375, %lt3A : i32
      %lt3A_379 = arith.constant 0 : i32
      %lt3A_380 = arith.cmpi slt, %select_n3A_374, %lt3A_379 : i32
      %ne3A_381 = arith.xori %lt3A_378, %lt3A_380 : i1
      %and3A_382 = arith.andi %ne3A_381, %ne3A_377 : i1
      %add3A_383 = arith.addi %rem3A_375, %select_n3A_374 : i32
      %select_n3A_384 = arith.select %and3A_382, %add3A_383, %rem3A_375 : i32
      %mul3A_385 = arith.constant 16 : i32
      %mul3A_386 = arith.muli %select_n3A_384, %mul3A_385 : i32
      %swap3A = arith.index_cast %select_n3A : i32 to index
      %swap3A_387 = arith.index_cast %mul3A_386 : i32 to index
      %swap3A_388 = tpu.vector_load %arg8[%swap3A, %swap3A_387] {strides = array<i32>} : memref<64x128xf32, #tpu.memory_space<vmem>>, vector<16xf32>,
      tpu.vector_store %arg8[%swap3A, %swap3A_387], %broadcast_in_dim3A_354 {strides = array<i32>} : memref<64x128xf32, #tpu.memory_space<vmem>>, vector<16xf32>,
    }
    %scan3A_5 = arith.constant 512 : i32
    %mul3A_6 = arith.constant 640 : i32
    %mul3A_7 = arith.muli %arg1, %mul3A_6 : i32
    %add3A_8 = arith.constant 0 : i32
    %add3A_9 = arith.addi %mul3A_7, %add3A_8 : i32
    %dma_start3A = arith.constant 0 : i32
    %dma_start3A_10 = tpu.memref_slice %arg17[%add3A_9, %dma_start3A] : memref<10240x128xf32, #tpu.memory_space<vmem_shared>> -> memref<64x128xf32, #tpu.memory_space<vmem_shared>>
    %dma_start3A_11 = arith.constant 0 : i32
    %dma_start3A_12 = tpu.memref_slice %arg17[%add3A_9, %dma_start3A_11] : memref<10240x128xf32, #tpu.memory_space<vmem_shared>> -> memref<64x128xf32, #tpu.memory_space<vmem_shared>>
    tpu.enqueue_dma source(%arg8 : memref<64x128xf32, #tpu.memory_space<vmem>>) target(%dma_start3A_12 : memref<64x128xf32, #tpu.memory_space<vmem_shared>>) target_semaphore(%arg11 : memref<!tpu.dma_semaphore, #tpu.memory_space<semaphore_mem>>)
    %mul3A_13 = arith.constant 640 : i32
    %mul3A_14 = arith.muli %arg1, %mul3A_13 : i32
    %add3A_15 = arith.constant 64 : i32
    %add3A_16 = arith.addi %mul3A_14, %add3A_15 : i32
    %dma_start3A_17 = arith.constant 0 : i32
    %dma_start3A_18 = tpu.memref_slice %arg17[%add3A_16, %dma_start3A_17] : memref<10240x128xf32, #tpu.memory_space<vmem_shared>> -> memref<64x128xf32, #tpu.memory_space<vmem_shared>>
    %dma_start3A_19 = arith.constant 0 : i32
    %dma_start3A_20 = tpu.memref_slice %arg17[%add3A_16, %dma_start3A_19] : memref<10240x128xf32, #tpu.memory_space<vmem_shared>> -> memref<64x128xf32, #tpu.memory_space<vmem_shared>>
    tpu.enqueue_dma source(%arg8 : memref<64x128xf32, #tpu.memory_space<vmem>>) target(%dma_start3A_20 : memref<64x128xf32, #tpu.memory_space<vmem_shared>>) target_semaphore(%arg11 : memref<!tpu.dma_semaphore, #tpu.memory_space<semaphore_mem>>)
    %mul3A_21 = arith.constant 640 : i32
    %mul3A_22 = arith.muli %arg1, %mul3A_21 : i32
    %add3A_23 = arith.constant 128 : i32
    %add3A_24 = arith.addi %mul3A_22, %add3A_23 : i32
    %dma_start3A_25 = arith.constant 0 : i32
    %dma_start3A_26 = tpu.memref_slice %arg17[%add3A_24, %dma_start3A_25] : memref<10240x128xf32, #tpu.memory_space<vmem_shared>> -> memref<64x128xf32, #tpu.memory_space<vmem_shared>>
    %dma_start3A_27 = arith.constant 0 : i32
    %dma_start3A_28 = tpu.memref_slice %arg17[%add3A_24, %dma_start3A_27] : memref<10240x128xf32, #tpu.memory_space<vmem_shared>> -> memref<64x128xf32, #tpu.memory_space<vmem_shared>>
    tpu.enqueue_dma source(%arg8 : memref<64x128xf32, #tpu.memory_space<vmem>>) target(%dma_start3A_28 : memref<64x128xf32, #tpu.memory_space<vmem_shared>>) target_semaphore(%arg11 : memref<!tpu.dma_semaphore, #tpu.memory_space<semaphore_mem>>)
    %mul3A_29 = arith.constant 640 : i32
    %mul3A_30 = arith.muli %arg1, %mul3A_29 : i32
    %add3A_31 = arith.constant 192 : i32
    %add3A_32 = arith.addi %mul3A_30, %add3A_31 : i32
    %dma_start3A_33 = arith.constant 0 : i32
    %dma_start3A_34 = tpu.memref_slice %arg17[%add3A_32, %dma_start3A_33] : memref<10240x128xf32, #tpu.memory_space<vmem_shared>> -> memref<64x128xf32, #tpu.memory_space<vmem_shared>>
    %dma_start3A_35 = arith.constant 0 : i32
    %dma_start3A_36 = tpu.memref_slice %arg17[%add3A_32, %dma_start3A_35] : memref<10240x128xf32, #tpu.memory_space<vmem_shared>> -> memref<64x128xf32, #tpu.memory_space<vmem_shared>>
    tpu.enqueue_dma source(%arg8 : memref<64x128xf32, #tpu.memory_space<vmem>>) target(%dma_start3A_36 : memref<64x128xf32, #tpu.memory_space<vmem_shared>>) target_semaphore(%arg11 : memref<!tpu.dma_semaphore, #tpu.memory_space<semaphore_mem>>)
    %mul3A_37 = arith.constant 640 : i32
    %mul3A_38 = arith.muli %arg1, %mul3A_37 : i32
    %add3A_39 = arith.constant 256 : i32
    %add3A_40 = arith.addi %mul3A_38, %add3A_39 : i32
    %dma_start3A_41 = arith.constant 0 : i32
    %dma_start3A_42 = tpu.memref_slice %arg17[%add3A_40, %dma_start3A_41] : memref<10240x128xf32, #tpu.memory_space<vmem_shared>> -> memref<64x128xf32, #tpu.memory_space<vmem_shared>>
    %dma_start3A_43 = arith.constant 0 : i32
    %dma_start3A_44 = tpu.memref_slice %arg17[%add3A_40, %dma_start3A_43] : memref<10240x128xf32, #tpu.memory_space<vmem_shared>> -> memref<64x128xf32, #tpu.memory_space<vmem_shared>>
    tpu.enqueue_dma source(%arg8 : memref<64x128xf32, #tpu.memory_space<vmem>>) target(%dma_start3A_44 : memref<64x128xf32, #tpu.memory_space<vmem_shared>>) target_semaphore(%arg11 : memref<!tpu.dma_semaphore, #tpu.memory_space<semaphore_mem>>)
    %mul3A_45 = arith.constant 640 : i32
    %mul3A_46 = arith.muli %arg1, %mul3A_45 : i32
    %add3A_47 = arith.constant 320 : i32
    %add3A_48 = arith.addi %mul3A_46, %add3A_47 : i32
    %dma_start3A_49 = arith.constant 0 : i32
    %dma_start3A_50 = tpu.memref_slice %arg17[%add3A_48, %dma_start3A_49] : memref<10240x128xf32, #tpu.memory_space<vmem_shared>> -> memref<64x128xf32, #tpu.memory_space<vmem_shared>>
    %dma_start3A_51 = arith.constant 0 : i32
    %dma_start3A_52 = tpu.memref_slice %arg17[%add3A_48, %dma_start3A_51] : memref<10240x128xf32, #tpu.memory_space<vmem_shared>> -> memref<64x128xf32, #tpu.memory_space<vmem_shared>>
    tpu.enqueue_dma source(%arg8 : memref<64x128xf32, #tpu.memory_space<vmem>>) target(%dma_start3A_52 : memref<64x128xf32, #tpu.memory_space<vmem_shared>>) target_semaphore(%arg11 : memref<!tpu.dma_semaphore, #tpu.memory_space<semaphore_mem>>)
    %mul3A_53 = arith.constant 640 : i32
    %mul3A_54 = arith.muli %arg1, %mul3A_53 : i32
    %add3A_55 = arith.constant 384 : i32
    %add3A_56 = arith.addi %mul3A_54, %add3A_55 : i32
    %dma_start3A_57 = arith.constant 0 : i32
    %dma_start3A_58 = tpu.memref_slice %arg17[%add3A_56, %dma_start3A_57] : memref<10240x128xf32, #tpu.memory_space<vmem_shared>> -> memref<64x128xf32, #tpu.memory_space<vmem_shared>>
    %dma_start3A_59 = arith.constant 0 : i32
    %dma_start3A_60 = tpu.memref_slice %arg17[%add3A_56, %dma_start3A_59] : memref<10240x128xf32, #tpu.memory_space<vmem_shared>> -> memref<64x128xf32, #tpu.memory_space<vmem_shared>>
    tpu.enqueue_dma source(%arg8 : memref<64x128xf32, #tpu.memory_space<vmem>>) target(%dma_start3A_60 : memref<64x128xf32, #tpu.memory_space<vmem_shared>>) target_semaphore(%arg11 : memref<!tpu.dma_semaphore, #tpu.memory_space<semaphore_mem>>)
    %mul3A_61 = arith.constant 640 : i32
    %mul3A_62 = arith.muli %arg1, %mul3A_61 : i32
    %add3A_63 = arith.constant 448 : i32
    %add3A_64 = arith.addi %mul3A_62, %add3A_63 : i32
    %dma_start3A_65 = arith.constant 0 : i32
    %dma_start3A_66 = tpu.memref_slice %arg17[%add3A_64, %dma_start3A_65] : memref<10240x128xf32, #tpu.memory_space<vmem_shared>> -> memref<64x128xf32, #tpu.memory_space<vmem_shared>>
    %dma_start3A_67 = arith.constant 0 : i32
    %dma_start3A_68 = tpu.memref_slice %arg17[%add3A_64, %dma_start3A_67] : memref<10240x128xf32, #tpu.memory_space<vmem_shared>> -> memref<64x128xf32, #tpu.memory_space<vmem_shared>>
    tpu.enqueue_dma source(%arg8 : memref<64x128xf32, #tpu.memory_space<vmem>>) target(%dma_start3A_68 : memref<64x128xf32, #tpu.memory_space<vmem_shared>>) target_semaphore(%arg11 : memref<!tpu.dma_semaphore, #tpu.memory_space<semaphore_mem>>)
    %mul3A_69 = arith.constant 640 : i32
    %mul3A_70 = arith.muli %arg1, %mul3A_69 : i32
    %add3A_71 = arith.constant 512 : i32
    %add3A_72 = arith.addi %mul3A_70, %add3A_71 : i32
    %dma_start3A_73 = arith.constant 0 : i32
    %dma_start3A_74 = tpu.memref_slice %arg17[%add3A_72, %dma_start3A_73] : memref<10240x128xf32, #tpu.memory_space<vmem_shared>> -> memref<64x128xf32, #tpu.memory_space<vmem_shared>>
    %dma_start3A_75 = arith.constant 0 : i32
    %dma_start3A_76 = tpu.memref_slice %arg17[%add3A_72, %dma_start3A_75] : memref<10240x128xf32, #tpu.memory_space<vmem_shared>> -> memref<64x128xf32, #tpu.memory_space<vmem_shared>>
    tpu.enqueue_dma source(%arg8 : memref<64x128xf32, #tpu.memory_space<vmem>>) target(%dma_start3A_76 : memref<64x128xf32, #tpu.memory_space<vmem_shared>>) target_semaphore(%arg11 : memref<!tpu.dma_semaphore, #tpu.memory_space<semaphore_mem>>)
    %mul3A_77 = arith.constant 640 : i32
    %mul3A_78 = arith.muli %arg1, %mul3A_77 : i32
    %add3A_79 = arith.constant 576 : i32
    %add3A_80 = arith.addi %mul3A_78, %add3A_79 : i32
    %dma_start3A_81 = arith.constant 0 : i32
    %dma_start3A_82 = tpu.memref_slice %arg17[%add3A_80, %dma_start3A_81] : memref<10240x128xf32, #tpu.memory_space<vmem_shared>> -> memref<64x128xf32, #tpu.memory_space<vmem_shared>>
    %dma_start3A_83 = arith.constant 0 : i32
    %dma_start3A_84 = tpu.memref_slice %arg17[%add3A_80, %dma_start3A_83] : memref<10240x128xf32, #tpu.memory_space<vmem_shared>> -> memref<64x128xf32, #tpu.memory_space<vmem_shared>>
    tpu.enqueue_dma source(%arg8 : memref<64x128xf32, #tpu.memory_space<vmem>>) target(%dma_start3A_84 : memref<64x128xf32, #tpu.memory_space<vmem_shared>>) target_semaphore(%arg11 : memref<!tpu.dma_semaphore, #tpu.memory_space<semaphore_mem>>)
    %dma_wait3A = arith.constant 0 : i32
    %dma_wait3A_85 = tpu.memref_slice %arg17[%add3A_9, %dma_wait3A] : memref<10240x128xf32, #tpu.memory_space<vmem_shared>> -> memref<64x128xf32, #tpu.memory_space<vmem_shared>>
    %dma_wait3A_86 = arith.constant 0 : i32
    %dma_wait3A_87 = tpu.memref_slice %arg17[%add3A_9, %dma_wait3A_86] : memref<10240x128xf32, #tpu.memory_space<vmem_shared>> -> memref<64x128xf32, #tpu.memory_space<vmem_shared>>
    tpu.wait_dma2 semaphore(%arg11 : memref<!tpu.dma_semaphore, #tpu.memory_space<semaphore_mem>>) src(%arg8 : memref<64x128xf32, #tpu.memory_space<vmem>>) dst(%dma_wait3A_87 : memref<64x128xf32, #tpu.memory_space<vmem_shared>>)
    %dma_wait3A_88 = arith.constant 0 : i32
    %dma_wait3A_89 = tpu.memref_slice %arg17[%add3A_16, %dma_wait3A_88] : memref<10240x128xf32, #tpu.memory_space<vmem_shared>> -> memref<64x128xf32, #tpu.memory_space<vmem_shared>>
    %dma_wait3A_90 = arith.constant 0 : i32
    %dma_wait3A_91 = tpu.memref_slice %arg17[%add3A_16, %dma_wait3A_90] : memref<10240x128xf32, #tpu.memory_space<vmem_shared>> -> memref<64x128xf32, #tpu.memory_space<vmem_shared>>
    tpu.wait_dma2 semaphore(%arg11 : memref<!tpu.dma_semaphore, #tpu.memory_space<semaphore_mem>>) src(%arg8 : memref<64x128xf32, #tpu.memory_space<vmem>>) dst(%dma_wait3A_91 : memref<64x128xf32, #tpu.memory_space<vmem_shared>>)
    %dma_wait3A_92 = arith.constant 0 : i32
    %dma_wait3A_93 = tpu.memref_slice %arg17[%add3A_24, %dma_wait3A_92] : memref<10240x128xf32, #tpu.memory_space<vmem_shared>> -> memref<64x128xf32, #tpu.memory_space<vmem_shared>>
    %dma_wait3A_94 = arith.constant 0 : i32
    %dma_wait3A_95 = tpu.memref_slice %arg17[%add3A_24, %dma_wait3A_94] : memref<10240x128xf32, #tpu.memory_space<vmem_shared>> -> memref<64x128xf32, #tpu.memory_space<vmem_shared>>
    tpu.wait_dma2 semaphore(%arg11 : memref<!tpu.dma_semaphore, #tpu.memory_space<semaphore_mem>>) src(%arg8 : memref<64x128xf32, #tpu.memory_space<vmem>>) dst(%dma_wait3A_95 : memref<64x128xf32, #tpu.memory_space<vmem_shared>>)
    %dma_wait3A_96 = arith.constant 0 : i32
    %dma_wait3A_97 = tpu.memref_slice %arg17[%add3A_32, %dma_wait3A_96] : memref<10240x128xf32, #tpu.memory_space<vmem_shared>> -> memref<64x128xf32, #tpu.memory_space<vmem_shared>>
    %dma_wait3A_98 = arith.constant 0 : i32
    %dma_wait3A_99 = tpu.memref_slice %arg17[%add3A_32, %dma_wait3A_98] : memref<10240x128xf32, #tpu.memory_space<vmem_shared>> -> memref<64x128xf32, #tpu.memory_space<vmem_shared>>
    tpu.wait_dma2 semaphore(%arg11 : memref<!tpu.dma_semaphore, #tpu.memory_space<semaphore_mem>>) src(%arg8 : memref<64x128xf32, #tpu.memory_space<vmem>>) dst(%dma_wait3A_99 : memref<64x128xf32, #tpu.memory_space<vmem_shared>>)
    %dma_wait3A_100 = arith.constant 0 : i32
    %dma_wait3A_101 = tpu.memref_slice %arg17[%add3A_40, %dma_wait3A_100] : memref<10240x128xf32, #tpu.memory_space<vmem_shared>> -> memref<64x128xf32, #tpu.memory_space<vmem_shared>>
    %dma_wait3A_102 = arith.constant 0 : i32
    %dma_wait3A_103 = tpu.memref_slice %arg17[%add3A_40, %dma_wait3A_102] : memref<10240x128xf32, #tpu.memory_space<vmem_shared>> -> memref<64x128xf32, #tpu.memory_space<vmem_shared>>
    tpu.wait_dma2 semaphore(%arg11 : memref<!tpu.dma_semaphore, #tpu.memory_space<semaphore_mem>>) src(%arg8 : memref<64x128xf32, #tpu.memory_space<vmem>>) dst(%dma_wait3A_103 : memref<64x128xf32, #tpu.memory_space<vmem_shared>>)
    %dma_wait3A_104 = arith.constant 0 : i32
    %dma_wait3A_105 = tpu.memref_slice %arg17[%add3A_48, %dma_wait3A_104] : memref<10240x128xf32, #tpu.memory_space<vmem_shared>> -> memref<64x128xf32, #tpu.memory_space<vmem_shared>>
    %dma_wait3A_106 = arith.constant 0 : i32
    %dma_wait3A_107 = tpu.memref_slice %arg17[%add3A_48, %dma_wait3A_106] : memref<10240x128xf32, #tpu.memory_space<vmem_shared>> -> memref<64x128xf32, #tpu.memory_space<vmem_shared>>
    tpu.wait_dma2 semaphore(%arg11 : memref<!tpu.dma_semaphore, #tpu.memory_space<semaphore_mem>>) src(%arg8 : memref<64x128xf32, #tpu.memory_space<vmem>>) dst(%dma_wait3A_107 : memref<64x128xf32, #tpu.memory_space<vmem_shared>>)
    %dma_wait3A_108 = arith.constant 0 : i32
    %dma_wait3A_109 = tpu.memref_slice %arg17[%add3A_56, %dma_wait3A_108] : memref<10240x128xf32, #tpu.memory_space<vmem_shared>> -> memref<64x128xf32, #tpu.memory_space<vmem_shared>>
    %dma_wait3A_110 = arith.constant 0 : i32
    %dma_wait3A_111 = tpu.memref_slice %arg17[%add3A_56, %dma_wait3A_110] : memref<10240x128xf32, #tpu.memory_space<vmem_shared>> -> memref<64x128xf32, #tpu.memory_space<vmem_shared>>
    tpu.wait_dma2 semaphore(%arg11 : memref<!tpu.dma_semaphore, #tpu.memory_space<semaphore_mem>>) src(%arg8 : memref<64x128xf32, #tpu.memory_space<vmem>>) dst(%dma_wait3A_111 : memref<64x128xf32, #tpu.memory_space<vmem_shared>>)
    %dma_wait3A_112 = arith.constant 0 : i32
    %dma_wait3A_113 = tpu.memref_slice %arg17[%add3A_64, %dma_wait3A_112] : memref<10240x128xf32, #tpu.memory_space<vmem_shared>> -> memref<64x128xf32, #tpu.memory_space<vmem_shared>>
    %dma_wait3A_114 = arith.constant 0 : i32
    %dma_wait3A_115 = tpu.memref_slice %arg17[%add3A_64, %dma_wait3A_114] : memref<10240x128xf32, #tpu.memory_space<vmem_shared>> -> memref<64x128xf32, #tpu.memory_space<vmem_shared>>
    tpu.wait_dma2 semaphore(%arg11 : memref<!tpu.dma_semaphore, #tpu.memory_space<semaphore_mem>>) src(%arg8 : memref<64x128xf32, #tpu.memory_space<vmem>>) dst(%dma_wait3A_115 : memref<64x128xf32, #tpu.memory_space<vmem_shared>>)
    %dma_wait3A_116 = arith.constant 0 : i32
    %dma_wait3A_117 = tpu.memref_slice %arg17[%add3A_72, %dma_wait3A_116] : memref<10240x128xf32, #tpu.memory_space<vmem_shared>> -> memref<64x128xf32, #tpu.memory_space<vmem_shared>>
    %dma_wait3A_118 = arith.constant 0 : i32
    %dma_wait3A_119 = tpu.memref_slice %arg17[%add3A_72, %dma_wait3A_118] : memref<10240x128xf32, #tpu.memory_space<vmem_shared>> -> memref<64x128xf32, #tpu.memory_space<vmem_shared>>
    tpu.wait_dma2 semaphore(%arg11 : memref<!tpu.dma_semaphore, #tpu.memory_space<semaphore_mem>>) src(%arg8 : memref<64x128xf32, #tpu.memory_space<vmem>>) dst(%dma_wait3A_119 : memref<64x128xf32, #tpu.memory_space<vmem_shared>>)
    %dma_wait3A_120 = arith.constant 0 : i32
    %dma_wait3A_121 = tpu.memref_slice %arg17[%add3A_80, %dma_wait3A_120] : memref<10240x128xf32, #tpu.memory_space<vmem_shared>> -> memref<64x128xf32, #tpu.memory_space<vmem_shared>>
    %dma_wait3A_122 = arith.constant 0 : i32
    %dma_wait3A_123 = tpu.memref_slice %arg17[%add3A_80, %dma_wait3A_122] : memref<10240x128xf32, #tpu.memory_space<vmem_shared>> -> memref<64x128xf32, #tpu.memory_space<vmem_shared>>
    tpu.wait_dma2 semaphore(%arg11 : memref<!tpu.dma_semaphore, #tpu.memory_space<semaphore_mem>>) src(%arg8 : memref<64x128xf32, #tpu.memory_space<vmem>>) dst(%dma_wait3A_123 : memref<64x128xf32, #tpu.memory_space<vmem_shared>>)
    %barrier3A = arith.constant 0 : index
    tpu.barrier barrier_id(%barrier3A)
    "tpu.region"() ({
      %run_scoped3A = tpu.sem_alloc : memref<!tpu.dma_semaphore, #tpu.memory_space<semaphore_mem>>
      %dma_start3A_353 = arith.constant 0 : i32
      %dma_start3A_354 = arith.constant 0 : i32
      %dma_start3A_355 = tpu.memref_slice %arg3[%add3A, %dma_start3A_353, %dma_start3A_354] : memref<32x160x64xi32, #tpu.memory_space<hbm>> -> memref<1x80x64xi32, #tpu.memory_space<hbm>>
      %dma_start3A_356 = tpu.memref_squeeze %dma_start3A_355 : memref<1x80x64xi32, #tpu.memory_space<hbm>> -> memref<80x64xi32, #tpu.memory_space<hbm>>
      %dma_start3A_357 = arith.constant 0 : i32
      %dma_start3A_358 = arith.constant 0 : i32
      %dma_start3A_359 = tpu.memref_slice %arg3[%add3A, %dma_start3A_357, %dma_start3A_358] : memref<32x160x64xi32, #tpu.memory_space<hbm>> -> memref<1x80x64xi32, #tpu.memory_space<hbm>>
      %dma_start3A_360 = tpu.memref_squeeze %dma_start3A_359 : memref<1x80x64xi32, #tpu.memory_space<hbm>> -> memref<80x64xi32, #tpu.memory_space<hbm>>
      tpu.enqueue_dma source(%dma_start3A_360 : memref<80x64xi32, #tpu.memory_space<hbm>>) target(%arg6 : memref<80x64xi32, #tpu.memory_space<vmem>>) target_semaphore(%run_scoped3A : memref<!tpu.dma_semaphore, #tpu.memory_space<semaphore_mem>>)
      %dma_wait3A_361 = arith.constant 0 : i32
      %dma_wait3A_362 = arith.constant 0 : i32
      %dma_wait3A_363 = tpu.memref_slice %arg3[%add3A, %dma_wait3A_361, %dma_wait3A_362] : memref<32x160x64xi32, #tpu.memory_space<hbm>> -> memref<1x80x64xi32, #tpu.memory_space<hbm>>
      %dma_wait3A_364 = tpu.memref_squeeze %dma_wait3A_363 : memref<1x80x64xi32, #tpu.memory_space<hbm>> -> memref<80x64xi32, #tpu.memory_space<hbm>>
      %dma_wait3A_365 = arith.constant 0 : i32
      %dma_wait3A_366 = arith.constant 0 : i32
      %dma_wait3A_367 = tpu.memref_slice %arg3[%add3A, %dma_wait3A_365, %dma_wait3A_366] : memref<32x160x64xi32, #tpu.memory_space<hbm>> -> memref<1x80x64xi32, #tpu.memory_space<hbm>>
      %dma_wait3A_368 = tpu.memref_squeeze %dma_wait3A_367 : memref<1x80x64xi32, #tpu.memory_space<hbm>> -> memref<80x64xi32, #tpu.memory_space<hbm>>
      tpu.wait_dma2 semaphore(%run_scoped3A : memref<!tpu.dma_semaphore, #tpu.memory_space<semaphore_mem>>) src(%dma_wait3A_368 : memref<80x64xi32, #tpu.memory_space<hbm>>) dst(%arg6 : memref<80x64xi32, #tpu.memory_space<vmem>>)
      tpu.yield
    }) : () -> ()
    "tpu.region"() ({
      %run_scoped3A = tpu.sem_alloc : memref<!tpu.dma_semaphore, #tpu.memory_space<semaphore_mem>>
      %dma_start3A_353 = arith.constant 0 : i32
      %dma_start3A_354 = arith.constant 0 : i32
      %dma_start3A_355 = tpu.memref_slice %arg4[%add3A, %dma_start3A_353, %dma_start3A_354] : memref<32x160x64xi32, #tpu.memory_space<hbm>> -> memref<1x80x64xi32, #tpu.memory_space<hbm>>
      %dma_start3A_356 = tpu.memref_squeeze %dma_start3A_355 : memref<1x80x64xi32, #tpu.memory_space<hbm>> -> memref<80x64xi32, #tpu.memory_space<hbm>>
      %dma_start3A_357 = arith.constant 0 : i32
      %dma_start3A_358 = arith.constant 0 : i32
      %dma_start3A_359 = tpu.memref_slice %arg4[%add3A, %dma_start3A_357, %dma_start3A_358] : memref<32x160x64xi32, #tpu.memory_space<hbm>> -> memref<1x80x64xi32, #tpu.memory_space<hbm>>
      %dma_start3A_360 = tpu.memref_squeeze %dma_start3A_359 : memref<1x80x64xi32, #tpu.memory_space<hbm>> -> memref<80x64xi32, #tpu.memory_space<hbm>>
      tpu.enqueue_dma source(%dma_start3A_360 : memref<80x64xi32, #tpu.memory_space<hbm>>) target(%arg7 : memref<80x64xi32, #tpu.memory_space<vmem>>) target_semaphore(%run_scoped3A : memref<!tpu.dma_semaphore, #tpu.memory_space<semaphore_mem>>)
      %dma_wait3A_361 = arith.constant 0 : i32
      %dma_wait3A_362 = arith.constant 0 : i32
      %dma_wait3A_363 = tpu.memref_slice %arg4[%add3A, %dma_wait3A_361, %dma_wait3A_362] : memref<32x160x64xi32, #tpu.memory_space<hbm>> -> memref<1x80x64xi32, #tpu.memory_space<hbm>>
      %dma_wait3A_364 = tpu.memref_squeeze %dma_wait3A_363 : memref<1x80x64xi32, #tpu.memory_space<hbm>> -> memref<80x64xi32, #tpu.memory_space<hbm>>
      %dma_wait3A_365 = arith.constant 0 : i32
      %dma_wait3A_366 = arith.constant 0 : i32
      %dma_wait3A_367 = tpu.memref_slice %arg4[%add3A, %dma_wait3A_365, %dma_wait3A_366] : memref<32x160x64xi32, #tpu.memory_space<hbm>> -> memref<1x80x64xi32, #tpu.memory_space<hbm>>
      %dma_wait3A_368 = tpu.memref_squeeze %dma_wait3A_367 : memref<1x80x64xi32, #tpu.memory_space<hbm>> -> memref<80x64xi32, #tpu.memory_space<hbm>>
      tpu.wait_dma2 semaphore(%run_scoped3A : memref<!tpu.dma_semaphore, #tpu.memory_space<semaphore_mem>>) src(%dma_wait3A_368 : memref<80x64xi32, #tpu.memory_space<hbm>>) dst(%arg7 : memref<80x64xi32, #tpu.memory_space<vmem>>)
      tpu.yield
    }) : () -> ()
    %dma_start3A_124 = arith.constant 0 : i32
    %dma_start3A_125 = arith.constant 0 : i32
    %dma_start3A_126 = tpu.memref_slice %arg6[%dma_start3A_124, %dma_start3A_125] : memref<80x64xi32, #tpu.memory_space<vmem>> -> memref<1x64xi32, #tpu.memory_space<vmem>>
    %dma_start3A_127 = tpu.memref_squeeze %dma_start3A_126 : memref<1x64xi32, #tpu.memory_space<vmem>> -> memref<64xi32, #tpu.memory_space<vmem>>
    %dma_start3A_128 = arith.constant 0 : i32
    %dma_start3A_129 = arith.constant 0 : i32
    %dma_start3A_130 = tpu.memref_slice %arg2[%dma_start3A_128, %dma_start3A_129] : memref<10240x128xf32, #tpu.memory_space<hbm>> -> memref<10240x128xf32, #tpu.memory_space<hbm>>
    tpu.enqueue_indirect_dma source(%dma_start3A_130 : memref<10240x128xf32, #tpu.memory_space<hbm>>) target(%arg8 : memref<64x128xf32, #tpu.memory_space<vmem>>) offsets(%dma_start3A_127 : memref<64xi32, #tpu.memory_space<vmem>>) semaphore(%arg11 : memref<!tpu.dma_semaphore, #tpu.memory_space<semaphore_mem>>)
    %dma_start3A_131 = arith.constant 1 : i32
    %dma_start3A_132 = arith.constant 0 : i32
    %dma_start3A_133 = tpu.memref_slice %arg6[%dma_start3A_131, %dma_start3A_132] : memref<80x64xi32, #tpu.memory_space<vmem>> -> memref<1x64xi32, #tpu.memory_space<vmem>>
    %dma_start3A_134 = tpu.memref_squeeze %dma_start3A_133 : memref<1x64xi32, #tpu.memory_space<vmem>> -> memref<64xi32, #tpu.memory_space<vmem>>
    %dma_start3A_135 = arith.constant 0 : i32
    %dma_start3A_136 = arith.constant 0 : i32
    %dma_start3A_137 = tpu.memref_slice %arg2[%dma_start3A_135, %dma_start3A_136] : memref<10240x128xf32, #tpu.memory_space<hbm>> -> memref<10240x128xf32, #tpu.memory_space<hbm>>
    tpu.enqueue_indirect_dma source(%dma_start3A_137 : memref<10240x128xf32, #tpu.memory_space<hbm>>) target(%arg9 : memref<64x128xf32, #tpu.memory_space<vmem>>) offsets(%dma_start3A_134 : memref<64xi32, #tpu.memory_space<vmem>>) semaphore(%arg12 : memref<!tpu.dma_semaphore, #tpu.memory_space<semaphore_mem>>)
    %dma_wait3A_138 = arith.constant 0 : i32
    %dma_wait3A_139 = arith.constant 0 : i32
    %dma_wait3A_140 = tpu.memref_slice %arg6[%dma_wait3A_138, %dma_wait3A_139] : memref<80x64xi32, #tpu.memory_space<vmem>> -> memref<1x64xi32, #tpu.memory_space<vmem>>
    %dma_wait3A_141 = tpu.memref_squeeze %dma_wait3A_140 : memref<1x64xi32, #tpu.memory_space<vmem>> -> memref<64xi32, #tpu.memory_space<vmem>>
    %dma_wait3A_142 = arith.constant 0 : i32
    %dma_wait3A_143 = arith.constant 0 : i32
    %dma_wait3A_144 = tpu.memref_slice %arg2[%dma_wait3A_142, %dma_wait3A_143] : memref<10240x128xf32, #tpu.memory_space<hbm>> -> memref<10240x128xf32, #tpu.memory_space<hbm>>
    tpu.wait_indirect_dma semaphore(%arg11 : memref<!tpu.dma_semaphore, #tpu.memory_space<semaphore_mem>>) src(%dma_wait3A_144 : memref<10240x128xf32, #tpu.memory_space<hbm>>) dst(%arg8 : memref<64x128xf32, #tpu.memory_space<vmem>>)
    %dma_start3A_145 = arith.constant 0 : i32
    %dma_start3A_146 = arith.constant 0 : i32
    %dma_start3A_147 = tpu.memref_slice %arg7[%dma_start3A_145, %dma_start3A_146] : memref<80x64xi32, #tpu.memory_space<vmem>> -> memref<1x64xi32, #tpu.memory_space<vmem>>
    %dma_start3A_148 = tpu.memref_squeeze %dma_start3A_147 : memref<1x64xi32, #tpu.memory_space<vmem>> -> memref<64xi32, #tpu.memory_space<vmem>>
    %dma_start3A_149 = arith.constant 0 : i32
    %dma_start3A_150 = arith.constant 0 : i32
    %dma_start3A_151 = tpu.memref_slice %arg17[%dma_start3A_149, %dma_start3A_150] : memref<10240x128xf32, #tpu.memory_space<vmem_shared>> -> memref<10240x128xf32, #tpu.memory_space<vmem_shared>>
    tpu.enqueue_indirect_dma source(%arg8 : memref<64x128xf32, #tpu.memory_space<vmem>>) target(%dma_start3A_151 : memref<10240x128xf32, #tpu.memory_space<vmem_shared>>) offsets(%dma_start3A_148 : memref<64xi32, #tpu.memory_space<vmem>>) semaphore(%arg14 : memref<!tpu.dma_semaphore, #tpu.memory_space<semaphore_mem>>) {add = true}
    %dma_start3A_152 = arith.constant 2 : i32
    %dma_start3A_153 = arith.constant 0 : i32
    %dma_start3A_154 = tpu.memref_slice %arg6[%dma_start3A_152, %dma_start3A_153] : memref<80x64xi32, #tpu.memory_space<vmem>> -> memref<1x64xi32, #tpu.memory_space<vmem>>
    %dma_start3A_155 = tpu.memref_squeeze %dma_start3A_154 : memref<1x64xi32, #tpu.memory_space<vmem>> -> memref<64xi32, #tpu.memory_space<vmem>>
    %dma_start3A_156 = arith.constant 0 : i32
    %dma_start3A_157 = arith.constant 0 : i32
    %dma_start3A_158 = tpu.memref_slice %arg2[%dma_start3A_156, %dma_start3A_157] : memref<10240x128xf32, #tpu.memory_space<hbm>> -> memref<10240x128xf32, #tpu.memory_space<hbm>>
    tpu.enqueue_indirect_dma source(%dma_start3A_158 : memref<10240x128xf32, #tpu.memory_space<hbm>>) target(%arg10 : memref<64x128xf32, #tpu.memory_space<vmem>>) offsets(%dma_start3A_155 : memref<64xi32, #tpu.memory_space<vmem>>) semaphore(%arg13 : memref<!tpu.dma_semaphore, #tpu.memory_space<semaphore_mem>>)
    %scan3A_159 = arith.constant 0 : i32
    %scan3A_160 = arith.constant 0 : i32
    %scan3A_161 = arith.constant 26 : i32
    %scan3A_162 = arith.addi %scan3A_160, %scan3A_161 : i32
    %scan3A_163 = arith.constant 1 : i32
    scf.for %scan3A_353 = %scan3A_160 to %scan3A_162 step %scan3A_163  : i32 {
      %mul3A_354 = arith.constant 3 : i32
      %mul3A_355 = arith.muli %mul3A_354, %scan3A_353 : i32
      %add3A_356 = arith.constant 1 : i32
      %add3A_357 = arith.addi %mul3A_355, %add3A_356 : i32
      %add3A_358 = arith.constant 0 : i32
      %add3A_359 = arith.addi %add3A_357, %add3A_358 : i32
      %dma_wait3A_360 = arith.constant 0 : i32
      %dma_wait3A_361 = arith.constant 0 : i32
      %dma_wait3A_362 = tpu.memref_slice %arg6[%dma_wait3A_360, %dma_wait3A_361] : memref<80x64xi32, #tpu.memory_space<vmem>> -> memref<1x64xi32, #tpu.memory_space<vmem>>
      %dma_wait3A_363 = tpu.memref_squeeze %dma_wait3A_362 : memref<1x64xi32, #tpu.memory_space<vmem>> -> memref<64xi32, #tpu.memory_space<vmem>>
      %dma_wait3A_364 = arith.constant 0 : i32
      %dma_wait3A_365 = arith.constant 0 : i32
      %dma_wait3A_366 = tpu.memref_slice %arg2[%dma_wait3A_364, %dma_wait3A_365] : memref<10240x128xf32, #tpu.memory_space<hbm>> -> memref<10240x128xf32, #tpu.memory_space<hbm>>
      tpu.wait_indirect_dma semaphore(%arg12 : memref<!tpu.dma_semaphore, #tpu.memory_space<semaphore_mem>>) src(%dma_wait3A_366 : memref<10240x128xf32, #tpu.memory_space<hbm>>) dst(%arg9 : memref<64x128xf32, #tpu.memory_space<vmem>>)
      %dma_start3A_367 = arith.constant 0 : i32
      %dma_start3A_368 = tpu.memref_slice %arg7[%add3A_359, %dma_start3A_367] : memref<80x64xi32, #tpu.memory_space<vmem>> -> memref<1x64xi32, #tpu.memory_space<vmem>>
      %dma_start3A_369 = tpu.memref_squeeze %dma_start3A_368 : memref<1x64xi32, #tpu.memory_space<vmem>> -> memref<64xi32, #tpu.memory_space<vmem>>
      %dma_start3A_370 = arith.constant 0 : i32
      %dma_start3A_371 = arith.constant 0 : i32
      %dma_start3A_372 = tpu.memref_slice %arg17[%dma_start3A_370, %dma_start3A_371] : memref<10240x128xf32, #tpu.memory_space<vmem_shared>> -> memref<10240x128xf32, #tpu.memory_space<vmem_shared>>
      tpu.enqueue_indirect_dma source(%arg9 : memref<64x128xf32, #tpu.memory_space<vmem>>) target(%dma_start3A_372 : memref<10240x128xf32, #tpu.memory_space<vmem_shared>>) offsets(%dma_start3A_369 : memref<64xi32, #tpu.memory_space<vmem>>) semaphore(%arg15 : memref<!tpu.dma_semaphore, #tpu.memory_space<semaphore_mem>>) {add = true}
      %dma_wait3A_373 = arith.constant 0 : i32
      %dma_wait3A_374 = arith.constant 0 : i32
      %dma_wait3A_375 = tpu.memref_slice %arg7[%dma_wait3A_373, %dma_wait3A_374] : memref<80x64xi32, #tpu.memory_space<vmem>> -> memref<1x64xi32, #tpu.memory_space<vmem>>
      %dma_wait3A_376 = tpu.memref_squeeze %dma_wait3A_375 : memref<1x64xi32, #tpu.memory_space<vmem>> -> memref<64xi32, #tpu.memory_space<vmem>>
      %dma_wait3A_377 = arith.constant 0 : i32
      %dma_wait3A_378 = arith.constant 0 : i32
      %dma_wait3A_379 = tpu.memref_slice %arg17[%dma_wait3A_377, %dma_wait3A_378] : memref<10240x128xf32, #tpu.memory_space<vmem_shared>> -> memref<10240x128xf32, #tpu.memory_space<vmem_shared>>
      tpu.wait_indirect_dma semaphore(%arg14 : memref<!tpu.dma_semaphore, #tpu.memory_space<semaphore_mem>>) src(%arg8 : memref<64x128xf32, #tpu.memory_space<vmem>>) dst(%dma_wait3A_379 : memref<10240x128xf32, #tpu.memory_space<vmem_shared>>)
      %add3A_380 = arith.constant 2 : i32
      %add3A_381 = arith.addi %add3A_359, %add3A_380 : i32
      %lt3A = arith.constant 80 : i32
      %lt3A_382 = arith.cmpi slt, %add3A_381, %lt3A : i32
      %convert_element_type3A = arith.extui %lt3A_382 : i1 to i32
      %cond3A = arith.constant 0 : i32
      %cond3A_383 = arith.cmpi ne, %convert_element_type3A, %cond3A : i32
      scf.if %cond3A_383 {
        %add3A_450 = arith.constant 2 : i32
        %add3A_451 = arith.addi %add3A_359, %add3A_450 : i32
        %dma_start3A_452 = arith.constant 0 : i32
        %dma_start3A_453 = tpu.memref_slice %arg6[%add3A_451, %dma_start3A_452] : memref<80x64xi32, #tpu.memory_space<vmem>> -> memref<1x64xi32, #tpu.memory_space<vmem>>
        %dma_start3A_454 = tpu.memref_squeeze %dma_start3A_453 : memref<1x64xi32, #tpu.memory_space<vmem>> -> memref<64xi32, #tpu.memory_space<vmem>>
        %dma_start3A_455 = arith.constant 0 : i32
        %dma_start3A_456 = arith.constant 0 : i32
        %dma_start3A_457 = tpu.memref_slice %arg2[%dma_start3A_455, %dma_start3A_456] : memref<10240x128xf32, #tpu.memory_space<hbm>> -> memref<10240x128xf32, #tpu.memory_space<hbm>>
        tpu.enqueue_indirect_dma source(%dma_start3A_457 : memref<10240x128xf32, #tpu.memory_space<hbm>>) target(%arg8 : memref<64x128xf32, #tpu.memory_space<vmem>>) offsets(%dma_start3A_454 : memref<64xi32, #tpu.memory_space<vmem>>) semaphore(%arg11 : memref<!tpu.dma_semaphore, #tpu.memory_space<semaphore_mem>>)
      } else {
      }
      %mul3A_384 = arith.constant 3 : i32
      %mul3A_385 = arith.muli %mul3A_384, %scan3A_353 : i32
      %add3A_386 = arith.constant 1 : i32
      %add3A_387 = arith.addi %mul3A_385, %add3A_386 : i32
      %add3A_388 = arith.constant 1 : i32
      %add3A_389 = arith.addi %add3A_387, %add3A_388 : i32
      %dma_wait3A_390 = arith.constant 0 : i32
      %dma_wait3A_391 = arith.constant 0 : i32
      %dma_wait3A_392 = tpu.memref_slice %arg6[%dma_wait3A_390, %dma_wait3A_391] : memref<80x64xi32, #tpu.memory_space<vmem>> -> memref<1x64xi32, #tpu.memory_space<vmem>>
      %dma_wait3A_393 = tpu.memref_squeeze %dma_wait3A_392 : memref<1x64xi32, #tpu.memory_space<vmem>> -> memref<64xi32, #tpu.memory_space<vmem>>
      %dma_wait3A_394 = arith.constant 0 : i32
      %dma_wait3A_395 = arith.constant 0 : i32
      %dma_wait3A_396 = tpu.memref_slice %arg2[%dma_wait3A_394, %dma_wait3A_395] : memref<10240x128xf32, #tpu.memory_space<hbm>> -> memref<10240x128xf32, #tpu.memory_space<hbm>>
      tpu.wait_indirect_dma semaphore(%arg13 : memref<!tpu.dma_semaphore, #tpu.memory_space<semaphore_mem>>) src(%dma_wait3A_396 : memref<10240x128xf32, #tpu.memory_space<hbm>>) dst(%arg10 : memref<64x128xf32, #tpu.memory_space<vmem>>)
      %dma_start3A_397 = arith.constant 0 : i32
      %dma_start3A_398 = tpu.memref_slice %arg7[%add3A_389, %dma_start3A_397] : memref<80x64xi32, #tpu.memory_space<vmem>> -> memref<1x64xi32, #tpu.memory_space<vmem>>
      %dma_start3A_399 = tpu.memref_squeeze %dma_start3A_398 : memref<1x64xi32, #tpu.memory_space<vmem>> -> memref<64xi32, #tpu.memory_space<vmem>>
      %dma_start3A_400 = arith.constant 0 : i32
      %dma_start3A_401 = arith.constant 0 : i32
      %dma_start3A_402 = tpu.memref_slice %arg17[%dma_start3A_400, %dma_start3A_401] : memref<10240x128xf32, #tpu.memory_space<vmem_shared>> -> memref<10240x128xf32, #tpu.memory_space<vmem_shared>>
      tpu.enqueue_indirect_dma source(%arg10 : memref<64x128xf32, #tpu.memory_space<vmem>>) target(%dma_start3A_402 : memref<10240x128xf32, #tpu.memory_space<vmem_shared>>) offsets(%dma_start3A_399 : memref<64xi32, #tpu.memory_space<vmem>>) semaphore(%arg16 : memref<!tpu.dma_semaphore, #tpu.memory_space<semaphore_mem>>) {add = true}
      %dma_wait3A_403 = arith.constant 0 : i32
      %dma_wait3A_404 = arith.constant 0 : i32
      %dma_wait3A_405 = tpu.memref_slice %arg7[%dma_wait3A_403, %dma_wait3A_404] : memref<80x64xi32, #tpu.memory_space<vmem>> -> memref<1x64xi32, #tpu.memory_space<vmem>>
      %dma_wait3A_406 = tpu.memref_squeeze %dma_wait3A_405 : memref<1x64xi32, #tpu.memory_space<vmem>> -> memref<64xi32, #tpu.memory_space<vmem>>
      %dma_wait3A_407 = arith.constant 0 : i32
      %dma_wait3A_408 = arith.constant 0 : i32
      %dma_wait3A_409 = tpu.memref_slice %arg17[%dma_wait3A_407, %dma_wait3A_408] : memref<10240x128xf32, #tpu.memory_space<vmem_shared>> -> memref<10240x128xf32, #tpu.memory_space<vmem_shared>>
      tpu.wait_indirect_dma semaphore(%arg15 : memref<!tpu.dma_semaphore, #tpu.memory_space<semaphore_mem>>) src(%arg9 : memref<64x128xf32, #tpu.memory_space<vmem>>) dst(%dma_wait3A_409 : memref<10240x128xf32, #tpu.memory_space<vmem_shared>>)
      %add3A_410 = arith.constant 2 : i32
      %add3A_411 = arith.addi %add3A_389, %add3A_410 : i32
      %lt3A_412 = arith.constant 80 : i32
      %lt3A_413 = arith.cmpi slt, %add3A_411, %lt3A_412 : i32
      %convert_element_type3A_414 = arith.extui %lt3A_413 : i1 to i32
      %cond3A_415 = arith.constant 0 : i32
      %cond3A_416 = arith.cmpi ne, %convert_element_type3A_414, %cond3A_415 : i32
      scf.if %cond3A_416 {
        %add3A_450 = arith.constant 2 : i32
        %add3A_451 = arith.addi %add3A_389, %add3A_450 : i32
        %dma_start3A_452 = arith.constant 0 : i32
        %dma_start3A_453 = tpu.memref_slice %arg6[%add3A_451, %dma_start3A_452] : memref<80x64xi32, #tpu.memory_space<vmem>> -> memref<1x64xi32, #tpu.memory_space<vmem>>
        %dma_start3A_454 = tpu.memref_squeeze %dma_start3A_453 : memref<1x64xi32, #tpu.memory_space<vmem>> -> memref<64xi32, #tpu.memory_space<vmem>>
        %dma_start3A_455 = arith.constant 0 : i32
        %dma_start3A_456 = arith.constant 0 : i32
        %dma_start3A_457 = tpu.memref_slice %arg2[%dma_start3A_455, %dma_start3A_456] : memref<10240x128xf32, #tpu.memory_space<hbm>> -> memref<10240x128xf32, #tpu.memory_space<hbm>>
        tpu.enqueue_indirect_dma source(%dma_start3A_457 : memref<10240x128xf32, #tpu.memory_space<hbm>>) target(%arg9 : memref<64x128xf32, #tpu.memory_space<vmem>>) offsets(%dma_start3A_454 : memref<64xi32, #tpu.memory_space<vmem>>) semaphore(%arg12 : memref<!tpu.dma_semaphore, #tpu.memory_space<semaphore_mem>>)
      } else {
      }
      %mul3A_417 = arith.constant 3 : i32
      %mul3A_418 = arith.muli %mul3A_417, %scan3A_353 : i32
      %add3A_419 = arith.constant 1 : i32
      %add3A_420 = arith.addi %mul3A_418, %add3A_419 : i32
      %add3A_421 = arith.constant 2 : i32
      %add3A_422 = arith.addi %add3A_420, %add3A_421 : i32
      %dma_wait3A_423 = arith.constant 0 : i32
      %dma_wait3A_424 = arith.constant 0 : i32
      %dma_wait3A_425 = tpu.memref_slice %arg6[%dma_wait3A_423, %dma_wait3A_424] : memref<80x64xi32, #tpu.memory_space<vmem>> -> memref<1x64xi32, #tpu.memory_space<vmem>>
      %dma_wait3A_426 = tpu.memref_squeeze %dma_wait3A_425 : memref<1x64xi32, #tpu.memory_space<vmem>> -> memref<64xi32, #tpu.memory_space<vmem>>
      %dma_wait3A_427 = arith.constant 0 : i32
      %dma_wait3A_428 = arith.constant 0 : i32
      %dma_wait3A_429 = tpu.memref_slice %arg2[%dma_wait3A_427, %dma_wait3A_428] : memref<10240x128xf32, #tpu.memory_space<hbm>> -> memref<10240x128xf32, #tpu.memory_space<hbm>>
      tpu.wait_indirect_dma semaphore(%arg11 : memref<!tpu.dma_semaphore, #tpu.memory_space<semaphore_mem>>) src(%dma_wait3A_429 : memref<10240x128xf32, #tpu.memory_space<hbm>>) dst(%arg8 : memref<64x128xf32, #tpu.memory_space<vmem>>)
      %dma_start3A_430 = arith.constant 0 : i32
      %dma_start3A_431 = tpu.memref_slice %arg7[%add3A_422, %dma_start3A_430] : memref<80x64xi32, #tpu.memory_space<vmem>> -> memref<1x64xi32, #tpu.memory_space<vmem>>
      %dma_start3A_432 = tpu.memref_squeeze %dma_start3A_431 : memref<1x64xi32, #tpu.memory_space<vmem>> -> memref<64xi32, #tpu.memory_space<vmem>>
      %dma_start3A_433 = arith.constant 0 : i32
      %dma_start3A_434 = arith.constant 0 : i32
      %dma_start3A_435 = tpu.memref_slice %arg17[%dma_start3A_433, %dma_start3A_434] : memref<10240x128xf32, #tpu.memory_space<vmem_shared>> -> memref<10240x128xf32, #tpu.memory_space<vmem_shared>>
      tpu.enqueue_indirect_dma source(%arg8 : memref<64x128xf32, #tpu.memory_space<vmem>>) target(%dma_start3A_435 : memref<10240x128xf32, #tpu.memory_space<vmem_shared>>) offsets(%dma_start3A_432 : memref<64xi32, #tpu.memory_space<vmem>>) semaphore(%arg14 : memref<!tpu.dma_semaphore, #tpu.memory_space<semaphore_mem>>) {add = true}
      %dma_wait3A_436 = arith.constant 0 : i32
      %dma_wait3A_437 = arith.constant 0 : i32
      %dma_wait3A_438 = tpu.memref_slice %arg7[%dma_wait3A_436, %dma_wait3A_437] : memref<80x64xi32, #tpu.memory_space<vmem>> -> memref<1x64xi32, #tpu.memory_space<vmem>>
      %dma_wait3A_439 = tpu.memref_squeeze %dma_wait3A_438 : memref<1x64xi32, #tpu.memory_space<vmem>> -> memref<64xi32, #tpu.memory_space<vmem>>
      %dma_wait3A_440 = arith.constant 0 : i32
      %dma_wait3A_441 = arith.constant 0 : i32
      %dma_wait3A_442 = tpu.memref_slice %arg17[%dma_wait3A_440, %dma_wait3A_441] : memref<10240x128xf32, #tpu.memory_space<vmem_shared>> -> memref<10240x128xf32, #tpu.memory_space<vmem_shared>>
      tpu.wait_indirect_dma semaphore(%arg16 : memref<!tpu.dma_semaphore, #tpu.memory_space<semaphore_mem>>) src(%arg10 : memref<64x128xf32, #tpu.memory_space<vmem>>) dst(%dma_wait3A_442 : memref<10240x128xf32, #tpu.memory_space<vmem_shared>>)
      %add3A_443 = arith.constant 2 : i32
      %add3A_444 = arith.addi %add3A_422, %add3A_443 : i32
      %lt3A_445 = arith.constant 80 : i32
      %lt3A_446 = arith.cmpi slt, %add3A_444, %lt3A_445 : i32
      %convert_element_type3A_447 = arith.extui %lt3A_446 : i1 to i32
      %cond3A_448 = arith.constant 0 : i32
      %cond3A_449 = arith.cmpi ne, %convert_element_type3A_447, %cond3A_448 : i32
      scf.if %cond3A_449 {
        %add3A_450 = arith.constant 2 : i32
        %add3A_451 = arith.addi %add3A_422, %add3A_450 : i32
        %dma_start3A_452 = arith.constant 0 : i32
        %dma_start3A_453 = tpu.memref_slice %arg6[%add3A_451, %dma_start3A_452] : memref<80x64xi32, #tpu.memory_space<vmem>> -> memref<1x64xi32, #tpu.memory_space<vmem>>
        %dma_start3A_454 = tpu.memref_squeeze %dma_start3A_453 : memref<1x64xi32, #tpu.memory_space<vmem>> -> memref<64xi32, #tpu.memory_space<vmem>>
        %dma_start3A_455 = arith.constant 0 : i32
        %dma_start3A_456 = arith.constant 0 : i32
        %dma_start3A_457 = tpu.memref_slice %arg2[%dma_start3A_455, %dma_start3A_456] : memref<10240x128xf32, #tpu.memory_space<hbm>> -> memref<10240x128xf32, #tpu.memory_space<hbm>>
        tpu.enqueue_indirect_dma source(%dma_start3A_457 : memref<10240x128xf32, #tpu.memory_space<hbm>>) target(%arg10 : memref<64x128xf32, #tpu.memory_space<vmem>>) offsets(%dma_start3A_454 : memref<64xi32, #tpu.memory_space<vmem>>) semaphore(%arg13 : memref<!tpu.dma_semaphore, #tpu.memory_space<semaphore_mem>>)
      } else {
      }
    }
    %scan3A_164 = arith.constant 26 : i32
    %dma_wait3A_165 = arith.constant 0 : i32
    %dma_wait3A_166 = arith.constant 0 : i32
    %dma_wait3A_167 = tpu.memref_slice %arg6[%dma_wait3A_165, %dma_wait3A_166] : memref<80x64xi32, #tpu.memory_space<vmem>> -> memref<1x64xi32, #tpu.memory_space<vmem>>
    %dma_wait3A_168 = tpu.memref_squeeze %dma_wait3A_167 : memref<1x64xi32, #tpu.memory_space<vmem>> -> memref<64xi32, #tpu.memory_space<vmem>>
    %dma_wait3A_169 = arith.constant 0 : i32
    %dma_wait3A_170 = arith.constant 0 : i32
    %dma_wait3A_171 = tpu.memref_slice %arg2[%dma_wait3A_169, %dma_wait3A_170] : memref<10240x128xf32, #tpu.memory_space<hbm>> -> memref<10240x128xf32, #tpu.memory_space<hbm>>
    tpu.wait_indirect_dma semaphore(%arg12 : memref<!tpu.dma_semaphore, #tpu.memory_space<semaphore_mem>>) src(%dma_wait3A_171 : memref<10240x128xf32, #tpu.memory_space<hbm>>) dst(%arg9 : memref<64x128xf32, #tpu.memory_space<vmem>>)
    %dma_start3A_172 = arith.constant 79 : i32
    %dma_start3A_173 = arith.constant 0 : i32
    %dma_start3A_174 = tpu.memref_slice %arg7[%dma_start3A_172, %dma_start3A_173] : memref<80x64xi32, #tpu.memory_space<vmem>> -> memref<1x64xi32, #tpu.memory_space<vmem>>
    %dma_start3A_175 = tpu.memref_squeeze %dma_start3A_174 : memref<1x64xi32, #tpu.memory_space<vmem>> -> memref<64xi32, #tpu.memory_space<vmem>>
    %dma_start3A_176 = arith.constant 0 : i32
    %dma_start3A_177 = arith.constant 0 : i32
    %dma_start3A_178 = tpu.memref_slice %arg17[%dma_start3A_176, %dma_start3A_177] : memref<10240x128xf32, #tpu.memory_space<vmem_shared>> -> memref<10240x128xf32, #tpu.memory_space<vmem_shared>>
    tpu.enqueue_indirect_dma source(%arg9 : memref<64x128xf32, #tpu.memory_space<vmem>>) target(%dma_start3A_178 : memref<10240x128xf32, #tpu.memory_space<vmem_shared>>) offsets(%dma_start3A_175 : memref<64xi32, #tpu.memory_space<vmem>>) semaphore(%arg15 : memref<!tpu.dma_semaphore, #tpu.memory_space<semaphore_mem>>) {add = true}
    %dma_wait3A_179 = arith.constant 0 : i32
    %dma_wait3A_180 = arith.constant 0 : i32
    %dma_wait3A_181 = tpu.memref_slice %arg7[%dma_wait3A_179, %dma_wait3A_180] : memref<80x64xi32, #tpu.memory_space<vmem>> -> memref<1x64xi32, #tpu.memory_space<vmem>>
    %dma_wait3A_182 = tpu.memref_squeeze %dma_wait3A_181 : memref<1x64xi32, #tpu.memory_space<vmem>> -> memref<64xi32, #tpu.memory_space<vmem>>
    %dma_wait3A_183 = arith.constant 0 : i32
    %dma_wait3A_184 = arith.constant 0 : i32
    %dma_wait3A_185 = tpu.memref_slice %arg17[%dma_wait3A_183, %dma_wait3A_184] : memref<10240x128xf32, #tpu.memory_space<vmem_shared>> -> memref<10240x128xf32, #tpu.memory_space<vmem_shared>>
    tpu.wait_indirect_dma semaphore(%arg14 : memref<!tpu.dma_semaphore, #tpu.memory_space<semaphore_mem>>) src(%arg8 : memref<64x128xf32, #tpu.memory_space<vmem>>) dst(%dma_wait3A_185 : memref<10240x128xf32, #tpu.memory_space<vmem_shared>>)
    %dma_wait3A_186 = arith.constant 0 : i32
    %dma_wait3A_187 = arith.constant 0 : i32
    %dma_wait3A_188 = tpu.memref_slice %arg7[%dma_wait3A_186, %dma_wait3A_187] : memref<80x64xi32, #tpu.memory_space<vmem>> -> memref<1x64xi32, #tpu.memory_space<vmem>>
    %dma_wait3A_189 = tpu.memref_squeeze %dma_wait3A_188 : memref<1x64xi32, #tpu.memory_space<vmem>> -> memref<64xi32, #tpu.memory_space<vmem>>
    %dma_wait3A_190 = arith.constant 0 : i32
    %dma_wait3A_191 = arith.constant 0 : i32
    %dma_wait3A_192 = tpu.memref_slice %arg17[%dma_wait3A_190, %dma_wait3A_191] : memref<10240x128xf32, #tpu.memory_space<vmem_shared>> -> memref<10240x128xf32, #tpu.memory_space<vmem_shared>>
    tpu.wait_indirect_dma semaphore(%arg15 : memref<!tpu.dma_semaphore, #tpu.memory_space<semaphore_mem>>) src(%arg9 : memref<64x128xf32, #tpu.memory_space<vmem>>) dst(%dma_wait3A_192 : memref<10240x128xf32, #tpu.memory_space<vmem_shared>>)
    "tpu.region"() ({
      %run_scoped3A = tpu.sem_alloc : memref<!tpu.dma_semaphore, #tpu.memory_space<semaphore_mem>>
      %dma_start3A_353 = arith.constant 80 : i32
      %dma_start3A_354 = arith.constant 0 : i32
      %dma_start3A_355 = tpu.memref_slice %arg3[%add3A, %dma_start3A_353, %dma_start3A_354] : memref<32x160x64xi32, #tpu.memory_space<hbm>> -> memref<1x80x64xi32, #tpu.memory_space<hbm>>
      %dma_start3A_356 = tpu.memref_squeeze %dma_start3A_355 : memref<1x80x64xi32, #tpu.memory_space<hbm>> -> memref<80x64xi32, #tpu.memory_space<hbm>>
      %dma_start3A_357 = arith.constant 80 : i32
      %dma_start3A_358 = arith.constant 0 : i32
      %dma_start3A_359 = tpu.memref_slice %arg3[%add3A, %dma_start3A_357, %dma_start3A_358] : memref<32x160x64xi32, #tpu.memory_space<hbm>> -> memref<1x80x64xi32, #tpu.memory_space<hbm>>
      %dma_start3A_360 = tpu.memref_squeeze %dma_start3A_359 : memref<1x80x64xi32, #tpu.memory_space<hbm>> -> memref<80x64xi32, #tpu.memory_space<hbm>>
      tpu.enqueue_dma source(%dma_start3A_360 : memref<80x64xi32, #tpu.memory_space<hbm>>) target(%arg6 : memref<80x64xi32, #tpu.memory_space<vmem>>) target_semaphore(%run_scoped3A : memref<!tpu.dma_semaphore, #tpu.memory_space<semaphore_mem>>)
      %dma_wait3A_361 = arith.constant 80 : i32
      %dma_wait3A_362 = arith.constant 0 : i32
      %dma_wait3A_363 = tpu.memref_slice %arg3[%add3A, %dma_wait3A_361, %dma_wait3A_362] : memref<32x160x64xi32, #tpu.memory_space<hbm>> -> memref<1x80x64xi32, #tpu.memory_space<hbm>>
      %dma_wait3A_364 = tpu.memref_squeeze %dma_wait3A_363 : memref<1x80x64xi32, #tpu.memory_space<hbm>> -> memref<80x64xi32, #tpu.memory_space<hbm>>
      %dma_wait3A_365 = arith.constant 80 : i32
      %dma_wait3A_366 = arith.constant 0 : i32
      %dma_wait3A_367 = tpu.memref_slice %arg3[%add3A, %dma_wait3A_365, %dma_wait3A_366] : memref<32x160x64xi32, #tpu.memory_space<hbm>> -> memref<1x80x64xi32, #tpu.memory_space<hbm>>
      %dma_wait3A_368 = tpu.memref_squeeze %dma_wait3A_367 : memref<1x80x64xi32, #tpu.memory_space<hbm>> -> memref<80x64xi32, #tpu.memory_space<hbm>>
      tpu.wait_dma2 semaphore(%run_scoped3A : memref<!tpu.dma_semaphore, #tpu.memory_space<semaphore_mem>>) src(%dma_wait3A_368 : memref<80x64xi32, #tpu.memory_space<hbm>>) dst(%arg6 : memref<80x64xi32, #tpu.memory_space<vmem>>)
      tpu.yield
    }) : () -> ()
    "tpu.region"() ({
      %run_scoped3A = tpu.sem_alloc : memref<!tpu.dma_semaphore, #tpu.memory_space<semaphore_mem>>
      %dma_start3A_353 = arith.constant 80 : i32
      %dma_start3A_354 = arith.constant 0 : i32
      %dma_start3A_355 = tpu.memref_slice %arg4[%add3A, %dma_start3A_353, %dma_start3A_354] : memref<32x160x64xi32, #tpu.memory_space<hbm>> -> memref<1x80x64xi32, #tpu.memory_space<hbm>>
      %dma_start3A_356 = tpu.memref_squeeze %dma_start3A_355 : memref<1x80x64xi32, #tpu.memory_space<hbm>> -> memref<80x64xi32, #tpu.memory_space<hbm>>
      %dma_start3A_357 = arith.constant 80 : i32
      %dma_start3A_358 = arith.constant 0 : i32
      %dma_start3A_359 = tpu.memref_slice %arg4[%add3A, %dma_start3A_357, %dma_start3A_358] : memref<32x160x64xi32, #tpu.memory_space<hbm>> -> memref<1x80x64xi32, #tpu.memory_space<hbm>>
      %dma_start3A_360 = tpu.memref_squeeze %dma_start3A_359 : memref<1x80x64xi32, #tpu.memory_space<hbm>> -> memref<80x64xi32, #tpu.memory_space<hbm>>
      tpu.enqueue_dma source(%dma_start3A_360 : memref<80x64xi32, #tpu.memory_space<hbm>>) target(%arg7 : memref<80x64xi32, #tpu.memory_space<vmem>>) target_semaphore(%run_scoped3A : memref<!tpu.dma_semaphore, #tpu.memory_space<semaphore_mem>>)
      %dma_wait3A_361 = arith.constant 80 : i32
      %dma_wait3A_362 = arith.constant 0 : i32
      %dma_wait3A_363 = tpu.memref_slice %arg4[%add3A, %dma_wait3A_361, %dma_wait3A_362] : memref<32x160x64xi32, #tpu.memory_space<hbm>> -> memref<1x80x64xi32, #tpu.memory_space<hbm>>
      %dma_wait3A_364 = tpu.memref_squeeze %dma_wait3A_363 : memref<1x80x64xi32, #tpu.memory_space<hbm>> -> memref<80x64xi32, #tpu.memory_space<hbm>>
      %dma_wait3A_365 = arith.constant 80 : i32
      %dma_wait3A_366 = arith.constant 0 : i32
      %dma_wait3A_367 = tpu.memref_slice %arg4[%add3A, %dma_wait3A_365, %dma_wait3A_366] : memref<32x160x64xi32, #tpu.memory_space<hbm>> -> memref<1x80x64xi32, #tpu.memory_space<hbm>>
      %dma_wait3A_368 = tpu.memref_squeeze %dma_wait3A_367 : memref<1x80x64xi32, #tpu.memory_space<hbm>> -> memref<80x64xi32, #tpu.memory_space<hbm>>
      tpu.wait_dma2 semaphore(%run_scoped3A : memref<!tpu.dma_semaphore, #tpu.memory_space<semaphore_mem>>) src(%dma_wait3A_368 : memref<80x64xi32, #tpu.memory_space<hbm>>) dst(%arg7 : memref<80x64xi32, #tpu.memory_space<vmem>>)
      tpu.yield
    }) : () -> ()
    %dma_start3A_193 = arith.constant 0 : i32
    %dma_start3A_194 = arith.constant 0 : i32
    %dma_start3A_195 = tpu.memref_slice %arg6[%dma_start3A_193, %dma_start3A_194] : memref<80x64xi32, #tpu.memory_space<vmem>> -> memref<1x64xi32, #tpu.memory_space<vmem>>
    %dma_start3A_196 = tpu.memref_squeeze %dma_start3A_195 : memref<1x64xi32, #tpu.memory_space<vmem>> -> memref<64xi32, #tpu.memory_space<vmem>>
    %dma_start3A_197 = arith.constant 0 : i32
    %dma_start3A_198 = arith.constant 0 : i32
    %dma_start3A_199 = tpu.memref_slice %arg2[%dma_start3A_197, %dma_start3A_198] : memref<10240x128xf32, #tpu.memory_space<hbm>> -> memref<10240x128xf32, #tpu.memory_space<hbm>>
    tpu.enqueue_indirect_dma source(%dma_start3A_199 : memref<10240x128xf32, #tpu.memory_space<hbm>>) target(%arg8 : memref<64x128xf32, #tpu.memory_space<vmem>>) offsets(%dma_start3A_196 : memref<64xi32, #tpu.memory_space<vmem>>) semaphore(%arg11 : memref<!tpu.dma_semaphore, #tpu.memory_space<semaphore_mem>>)
    %dma_start3A_200 = arith.constant 1 : i32
    %dma_start3A_201 = arith.constant 0 : i32
    %dma_start3A_202 = tpu.memref_slice %arg6[%dma_start3A_200, %dma_start3A_201] : memref<80x64xi32, #tpu.memory_space<vmem>> -> memref<1x64xi32, #tpu.memory_space<vmem>>
    %dma_start3A_203 = tpu.memref_squeeze %dma_start3A_202 : memref<1x64xi32, #tpu.memory_space<vmem>> -> memref<64xi32, #tpu.memory_space<vmem>>
    %dma_start3A_204 = arith.constant 0 : i32
    %dma_start3A_205 = arith.constant 0 : i32
    %dma_start3A_206 = tpu.memref_slice %arg2[%dma_start3A_204, %dma_start3A_205] : memref<10240x128xf32, #tpu.memory_space<hbm>> -> memref<10240x128xf32, #tpu.memory_space<hbm>>
    tpu.enqueue_indirect_dma source(%dma_start3A_206 : memref<10240x128xf32, #tpu.memory_space<hbm>>) target(%arg9 : memref<64x128xf32, #tpu.memory_space<vmem>>) offsets(%dma_start3A_203 : memref<64xi32, #tpu.memory_space<vmem>>) semaphore(%arg12 : memref<!tpu.dma_semaphore, #tpu.memory_space<semaphore_mem>>)
    %dma_wait3A_207 = arith.constant 0 : i32
    %dma_wait3A_208 = arith.constant 0 : i32
    %dma_wait3A_209 = tpu.memref_slice %arg6[%dma_wait3A_207, %dma_wait3A_208] : memref<80x64xi32, #tpu.memory_space<vmem>> -> memref<1x64xi32, #tpu.memory_space<vmem>>
    %dma_wait3A_210 = tpu.memref_squeeze %dma_wait3A_209 : memref<1x64xi32, #tpu.memory_space<vmem>> -> memref<64xi32, #tpu.memory_space<vmem>>
    %dma_wait3A_211 = arith.constant 0 : i32
    %dma_wait3A_212 = arith.constant 0 : i32
    %dma_wait3A_213 = tpu.memref_slice %arg2[%dma_wait3A_211, %dma_wait3A_212] : memref<10240x128xf32, #tpu.memory_space<hbm>> -> memref<10240x128xf32, #tpu.memory_space<hbm>>
    tpu.wait_indirect_dma semaphore(%arg11 : memref<!tpu.dma_semaphore, #tpu.memory_space<semaphore_mem>>) src(%dma_wait3A_213 : memref<10240x128xf32, #tpu.memory_space<hbm>>) dst(%arg8 : memref<64x128xf32, #tpu.memory_space<vmem>>)
    %dma_start3A_214 = arith.constant 0 : i32
    %dma_start3A_215 = arith.constant 0 : i32
    %dma_start3A_216 = tpu.memref_slice %arg7[%dma_start3A_214, %dma_start3A_215] : memref<80x64xi32, #tpu.memory_space<vmem>> -> memref<1x64xi32, #tpu.memory_space<vmem>>
    %dma_start3A_217 = tpu.memref_squeeze %dma_start3A_216 : memref<1x64xi32, #tpu.memory_space<vmem>> -> memref<64xi32, #tpu.memory_space<vmem>>
    %dma_start3A_218 = arith.constant 0 : i32
    %dma_start3A_219 = arith.constant 0 : i32
    %dma_start3A_220 = tpu.memref_slice %arg17[%dma_start3A_218, %dma_start3A_219] : memref<10240x128xf32, #tpu.memory_space<vmem_shared>> -> memref<10240x128xf32, #tpu.memory_space<vmem_shared>>
    tpu.enqueue_indirect_dma source(%arg8 : memref<64x128xf32, #tpu.memory_space<vmem>>) target(%dma_start3A_220 : memref<10240x128xf32, #tpu.memory_space<vmem_shared>>) offsets(%dma_start3A_217 : memref<64xi32, #tpu.memory_space<vmem>>) semaphore(%arg14 : memref<!tpu.dma_semaphore, #tpu.memory_space<semaphore_mem>>) {add = true}
    %dma_start3A_221 = arith.constant 2 : i32
    %dma_start3A_222 = arith.constant 0 : i32
    %dma_start3A_223 = tpu.memref_slice %arg6[%dma_start3A_221, %dma_start3A_222] : memref<80x64xi32, #tpu.memory_space<vmem>> -> memref<1x64xi32, #tpu.memory_space<vmem>>
    %dma_start3A_224 = tpu.memref_squeeze %dma_start3A_223 : memref<1x64xi32, #tpu.memory_space<vmem>> -> memref<64xi32, #tpu.memory_space<vmem>>
    %dma_start3A_225 = arith.constant 0 : i32
    %dma_start3A_226 = arith.constant 0 : i32
    %dma_start3A_227 = tpu.memref_slice %arg2[%dma_start3A_225, %dma_start3A_226] : memref<10240x128xf32, #tpu.memory_space<hbm>> -> memref<10240x128xf32, #tpu.memory_space<hbm>>
    tpu.enqueue_indirect_dma source(%dma_start3A_227 : memref<10240x128xf32, #tpu.memory_space<hbm>>) target(%arg10 : memref<64x128xf32, #tpu.memory_space<vmem>>) offsets(%dma_start3A_224 : memref<64xi32, #tpu.memory_space<vmem>>) semaphore(%arg13 : memref<!tpu.dma_semaphore, #tpu.memory_space<semaphore_mem>>)
    %scan3A_228 = arith.constant 0 : i32
    %scan3A_229 = arith.constant 0 : i32
    %scan3A_230 = arith.constant 26 : i32
    %scan3A_231 = arith.addi %scan3A_229, %scan3A_230 : i32
    %scan3A_232 = arith.constant 1 : i32
    scf.for %scan3A_353 = %scan3A_229 to %scan3A_231 step %scan3A_232  : i32 {
      %mul3A_354 = arith.constant 3 : i32
      %mul3A_355 = arith.muli %mul3A_354, %scan3A_353 : i32
      %add3A_356 = arith.constant 1 : i32
      %add3A_357 = arith.addi %mul3A_355, %add3A_356 : i32
      %add3A_358 = arith.constant 0 : i32
      %add3A_359 = arith.addi %add3A_357, %add3A_358 : i32
      %dma_wait3A_360 = arith.constant 0 : i32
      %dma_wait3A_361 = arith.constant 0 : i32
      %dma_wait3A_362 = tpu.memref_slice %arg6[%dma_wait3A_360, %dma_wait3A_361] : memref<80x64xi32, #tpu.memory_space<vmem>> -> memref<1x64xi32, #tpu.memory_space<vmem>>
      %dma_wait3A_363 = tpu.memref_squeeze %dma_wait3A_362 : memref<1x64xi32, #tpu.memory_space<vmem>> -> memref<64xi32, #tpu.memory_space<vmem>>
      %dma_wait3A_364 = arith.constant 0 : i32
      %dma_wait3A_365 = arith.constant 0 : i32
      %dma_wait3A_366 = tpu.memref_slice %arg2[%dma_wait3A_364, %dma_wait3A_365] : memref<10240x128xf32, #tpu.memory_space<hbm>> -> memref<10240x128xf32, #tpu.memory_space<hbm>>
      tpu.wait_indirect_dma semaphore(%arg12 : memref<!tpu.dma_semaphore, #tpu.memory_space<semaphore_mem>>) src(%dma_wait3A_366 : memref<10240x128xf32, #tpu.memory_space<hbm>>) dst(%arg9 : memref<64x128xf32, #tpu.memory_space<vmem>>)
      %dma_start3A_367 = arith.constant 0 : i32
      %dma_start3A_368 = tpu.memref_slice %arg7[%add3A_359, %dma_start3A_367] : memref<80x64xi32, #tpu.memory_space<vmem>> -> memref<1x64xi32, #tpu.memory_space<vmem>>
      %dma_start3A_369 = tpu.memref_squeeze %dma_start3A_368 : memref<1x64xi32, #tpu.memory_space<vmem>> -> memref<64xi32, #tpu.memory_space<vmem>>
      %dma_start3A_370 = arith.constant 0 : i32
      %dma_start3A_371 = arith.constant 0 : i32
      %dma_start3A_372 = tpu.memref_slice %arg17[%dma_start3A_370, %dma_start3A_371] : memref<10240x128xf32, #tpu.memory_space<vmem_shared>> -> memref<10240x128xf32, #tpu.memory_space<vmem_shared>>
      tpu.enqueue_indirect_dma source(%arg9 : memref<64x128xf32, #tpu.memory_space<vmem>>) target(%dma_start3A_372 : memref<10240x128xf32, #tpu.memory_space<vmem_shared>>) offsets(%dma_start3A_369 : memref<64xi32, #tpu.memory_space<vmem>>) semaphore(%arg15 : memref<!tpu.dma_semaphore, #tpu.memory_space<semaphore_mem>>) {add = true}
      %dma_wait3A_373 = arith.constant 0 : i32
      %dma_wait3A_374 = arith.constant 0 : i32
      %dma_wait3A_375 = tpu.memref_slice %arg7[%dma_wait3A_373, %dma_wait3A_374] : memref<80x64xi32, #tpu.memory_space<vmem>> -> memref<1x64xi32, #tpu.memory_space<vmem>>
      %dma_wait3A_376 = tpu.memref_squeeze %dma_wait3A_375 : memref<1x64xi32, #tpu.memory_space<vmem>> -> memref<64xi32, #tpu.memory_space<vmem>>
      %dma_wait3A_377 = arith.constant 0 : i32
      %dma_wait3A_378 = arith.constant 0 : i32
      %dma_wait3A_379 = tpu.memref_slice %arg17[%dma_wait3A_377, %dma_wait3A_378] : memref<10240x128xf32, #tpu.memory_space<vmem_shared>> -> memref<10240x128xf32, #tpu.memory_space<vmem_shared>>
      tpu.wait_indirect_dma semaphore(%arg14 : memref<!tpu.dma_semaphore, #tpu.memory_space<semaphore_mem>>) src(%arg8 : memref<64x128xf32, #tpu.memory_space<vmem>>) dst(%dma_wait3A_379 : memref<10240x128xf32, #tpu.memory_space<vmem_shared>>)
      %add3A_380 = arith.constant 2 : i32
      %add3A_381 = arith.addi %add3A_359, %add3A_380 : i32
      %lt3A = arith.constant 80 : i32
      %lt3A_382 = arith.cmpi slt, %add3A_381, %lt3A : i32
      %convert_element_type3A = arith.extui %lt3A_382 : i1 to i32
      %cond3A = arith.constant 0 : i32
      %cond3A_383 = arith.cmpi ne, %convert_element_type3A, %cond3A : i32
      scf.if %cond3A_383 {
        %add3A_450 = arith.constant 2 : i32
        %add3A_451 = arith.addi %add3A_359, %add3A_450 : i32
        %dma_start3A_452 = arith.constant 0 : i32
        %dma_start3A_453 = tpu.memref_slice %arg6[%add3A_451, %dma_start3A_452] : memref<80x64xi32, #tpu.memory_space<vmem>> -> memref<1x64xi32, #tpu.memory_space<vmem>>
        %dma_start3A_454 = tpu.memref_squeeze %dma_start3A_453 : memref<1x64xi32, #tpu.memory_space<vmem>> -> memref<64xi32, #tpu.memory_space<vmem>>
        %dma_start3A_455 = arith.constant 0 : i32
        %dma_start3A_456 = arith.constant 0 : i32
        %dma_start3A_457 = tpu.memref_slice %arg2[%dma_start3A_455, %dma_start3A_456] : memref<10240x128xf32, #tpu.memory_space<hbm>> -> memref<10240x128xf32, #tpu.memory_space<hbm>>
        tpu.enqueue_indirect_dma source(%dma_start3A_457 : memref<10240x128xf32, #tpu.memory_space<hbm>>) target(%arg8 : memref<64x128xf32, #tpu.memory_space<vmem>>) offsets(%dma_start3A_454 : memref<64xi32, #tpu.memory_space<vmem>>) semaphore(%arg11 : memref<!tpu.dma_semaphore, #tpu.memory_space<semaphore_mem>>)
      } else {
      }
      %mul3A_384 = arith.constant 3 : i32
      %mul3A_385 = arith.muli %mul3A_384, %scan3A_353 : i32
      %add3A_386 = arith.constant 1 : i32
      %add3A_387 = arith.addi %mul3A_385, %add3A_386 : i32
      %add3A_388 = arith.constant 1 : i32
      %add3A_389 = arith.addi %add3A_387, %add3A_388 : i32
      %dma_wait3A_390 = arith.constant 0 : i32
      %dma_wait3A_391 = arith.constant 0 : i32
      %dma_wait3A_392 = tpu.memref_slice %arg6[%dma_wait3A_390, %dma_wait3A_391] : memref<80x64xi32, #tpu.memory_space<vmem>> -> memref<1x64xi32, #tpu.memory_space<vmem>>
      %dma_wait3A_393 = tpu.memref_squeeze %dma_wait3A_392 : memref<1x64xi32, #tpu.memory_space<vmem>> -> memref<64xi32, #tpu.memory_space<vmem>>
      %dma_wait3A_394 = arith.constant 0 : i32
      %dma_wait3A_395 = arith.constant 0 : i32
      %dma_wait3A_396 = tpu.memref_slice %arg2[%dma_wait3A_394, %dma_wait3A_395] : memref<10240x128xf32, #tpu.memory_space<hbm>> -> memref<10240x128xf32, #tpu.memory_space<hbm>>
      tpu.wait_indirect_dma semaphore(%arg13 : memref<!tpu.dma_semaphore, #tpu.memory_space<semaphore_mem>>) src(%dma_wait3A_396 : memref<10240x128xf32, #tpu.memory_space<hbm>>) dst(%arg10 : memref<64x128xf32, #tpu.memory_space<vmem>>)
      %dma_start3A_397 = arith.constant 0 : i32
      %dma_start3A_398 = tpu.memref_slice %arg7[%add3A_389, %dma_start3A_397] : memref<80x64xi32, #tpu.memory_space<vmem>> -> memref<1x64xi32, #tpu.memory_space<vmem>>
      %dma_start3A_399 = tpu.memref_squeeze %dma_start3A_398 : memref<1x64xi32, #tpu.memory_space<vmem>> -> memref<64xi32, #tpu.memory_space<vmem>>
      %dma_start3A_400 = arith.constant 0 : i32
      %dma_start3A_401 = arith.constant 0 : i32
      %dma_start3A_402 = tpu.memref_slice %arg17[%dma_start3A_400, %dma_start3A_401] : memref<10240x128xf32, #tpu.memory_space<vmem_shared>> -> memref<10240x128xf32, #tpu.memory_space<vmem_shared>>
      tpu.enqueue_indirect_dma source(%arg10 : memref<64x128xf32, #tpu.memory_space<vmem>>) target(%dma_start3A_402 : memref<10240x128xf32, #tpu.memory_space<vmem_shared>>) offsets(%dma_start3A_399 : memref<64xi32, #tpu.memory_space<vmem>>) semaphore(%arg16 : memref<!tpu.dma_semaphore, #tpu.memory_space<semaphore_mem>>) {add = true}
      %dma_wait3A_403 = arith.constant 0 : i32
      %dma_wait3A_404 = arith.constant 0 : i32
      %dma_wait3A_405 = tpu.memref_slice %arg7[%dma_wait3A_403, %dma_wait3A_404] : memref<80x64xi32, #tpu.memory_space<vmem>> -> memref<1x64xi32, #tpu.memory_space<vmem>>
      %dma_wait3A_406 = tpu.memref_squeeze %dma_wait3A_405 : memref<1x64xi32, #tpu.memory_space<vmem>> -> memref<64xi32, #tpu.memory_space<vmem>>
      %dma_wait3A_407 = arith.constant 0 : i32
      %dma_wait3A_408 = arith.constant 0 : i32
      %dma_wait3A_409 = tpu.memref_slice %arg17[%dma_wait3A_407, %dma_wait3A_408] : memref<10240x128xf32, #tpu.memory_space<vmem_shared>> -> memref<10240x128xf32, #tpu.memory_space<vmem_shared>>
      tpu.wait_indirect_dma semaphore(%arg15 : memref<!tpu.dma_semaphore, #tpu.memory_space<semaphore_mem>>) src(%arg9 : memref<64x128xf32, #tpu.memory_space<vmem>>) dst(%dma_wait3A_409 : memref<10240x128xf32, #tpu.memory_space<vmem_shared>>)
      %add3A_410 = arith.constant 2 : i32
      %add3A_411 = arith.addi %add3A_389, %add3A_410 : i32
      %lt3A_412 = arith.constant 80 : i32
      %lt3A_413 = arith.cmpi slt, %add3A_411, %lt3A_412 : i32
      %convert_element_type3A_414 = arith.extui %lt3A_413 : i1 to i32
      %cond3A_415 = arith.constant 0 : i32
      %cond3A_416 = arith.cmpi ne, %convert_element_type3A_414, %cond3A_415 : i32
      scf.if %cond3A_416 {
        %add3A_450 = arith.constant 2 : i32
        %add3A_451 = arith.addi %add3A_389, %add3A_450 : i32
        %dma_start3A_452 = arith.constant 0 : i32
        %dma_start3A_453 = tpu.memref_slice %arg6[%add3A_451, %dma_start3A_452] : memref<80x64xi32, #tpu.memory_space<vmem>> -> memref<1x64xi32, #tpu.memory_space<vmem>>
        %dma_start3A_454 = tpu.memref_squeeze %dma_start3A_453 : memref<1x64xi32, #tpu.memory_space<vmem>> -> memref<64xi32, #tpu.memory_space<vmem>>
        %dma_start3A_455 = arith.constant 0 : i32
        %dma_start3A_456 = arith.constant 0 : i32
        %dma_start3A_457 = tpu.memref_slice %arg2[%dma_start3A_455, %dma_start3A_456] : memref<10240x128xf32, #tpu.memory_space<hbm>> -> memref<10240x128xf32, #tpu.memory_space<hbm>>
        tpu.enqueue_indirect_dma source(%dma_start3A_457 : memref<10240x128xf32, #tpu.memory_space<hbm>>) target(%arg9 : memref<64x128xf32, #tpu.memory_space<vmem>>) offsets(%dma_start3A_454 : memref<64xi32, #tpu.memory_space<vmem>>) semaphore(%arg12 : memref<!tpu.dma_semaphore, #tpu.memory_space<semaphore_mem>>)
      } else {
      }
      %mul3A_417 = arith.constant 3 : i32
      %mul3A_418 = arith.muli %mul3A_417, %scan3A_353 : i32
      %add3A_419 = arith.constant 1 : i32
      %add3A_420 = arith.addi %mul3A_418, %add3A_419 : i32
      %add3A_421 = arith.constant 2 : i32
      %add3A_422 = arith.addi %add3A_420, %add3A_421 : i32
      %dma_wait3A_423 = arith.constant 0 : i32
      %dma_wait3A_424 = arith.constant 0 : i32
      %dma_wait3A_425 = tpu.memref_slice %arg6[%dma_wait3A_423, %dma_wait3A_424] : memref<80x64xi32, #tpu.memory_space<vmem>> -> memref<1x64xi32, #tpu.memory_space<vmem>>
      %dma_wait3A_426 = tpu.memref_squeeze %dma_wait3A_425 : memref<1x64xi32, #tpu.memory_space<vmem>> -> memref<64xi32, #tpu.memory_space<vmem>>
      %dma_wait3A_427 = arith.constant 0 : i32
      %dma_wait3A_428 = arith.constant 0 : i32
      %dma_wait3A_429 = tpu.memref_slice %arg2[%dma_wait3A_427, %dma_wait3A_428] : memref<10240x128xf32, #tpu.memory_space<hbm>> -> memref<10240x128xf32, #tpu.memory_space<hbm>>
      tpu.wait_indirect_dma semaphore(%arg11 : memref<!tpu.dma_semaphore, #tpu.memory_space<semaphore_mem>>) src(%dma_wait3A_429 : memref<10240x128xf32, #tpu.memory_space<hbm>>) dst(%arg8 : memref<64x128xf32, #tpu.memory_space<vmem>>)
      %dma_start3A_430 = arith.constant 0 : i32
      %dma_start3A_431 = tpu.memref_slice %arg7[%add3A_422, %dma_start3A_430] : memref<80x64xi32, #tpu.memory_space<vmem>> -> memref<1x64xi32, #tpu.memory_space<vmem>>
      %dma_start3A_432 = tpu.memref_squeeze %dma_start3A_431 : memref<1x64xi32, #tpu.memory_space<vmem>> -> memref<64xi32, #tpu.memory_space<vmem>>
      %dma_start3A_433 = arith.constant 0 : i32
      %dma_start3A_434 = arith.constant 0 : i32
      %dma_start3A_435 = tpu.memref_slice %arg17[%dma_start3A_433, %dma_start3A_434] : memref<10240x128xf32, #tpu.memory_space<vmem_shared>> -> memref<10240x128xf32, #tpu.memory_space<vmem_shared>>
      tpu.enqueue_indirect_dma source(%arg8 : memref<64x128xf32, #tpu.memory_space<vmem>>) target(%dma_start3A_435 : memref<10240x128xf32, #tpu.memory_space<vmem_shared>>) offsets(%dma_start3A_432 : memref<64xi32, #tpu.memory_space<vmem>>) semaphore(%arg14 : memref<!tpu.dma_semaphore, #tpu.memory_space<semaphore_mem>>) {add = true}
      %dma_wait3A_436 = arith.constant 0 : i32
      %dma_wait3A_437 = arith.constant 0 : i32
      %dma_wait3A_438 = tpu.memref_slice %arg7[%dma_wait3A_436, %dma_wait3A_437] : memref<80x64xi32, #tpu.memory_space<vmem>> -> memref<1x64xi32, #tpu.memory_space<vmem>>
      %dma_wait3A_439 = tpu.memref_squeeze %dma_wait3A_438 : memref<1x64xi32, #tpu.memory_space<vmem>> -> memref<64xi32, #tpu.memory_space<vmem>>
      %dma_wait3A_440 = arith.constant 0 : i32
      %dma_wait3A_441 = arith.constant 0 : i32
      %dma_wait3A_442 = tpu.memref_slice %arg17[%dma_wait3A_440, %dma_wait3A_441] : memref<10240x128xf32, #tpu.memory_space<vmem_shared>> -> memref<10240x128xf32, #tpu.memory_space<vmem_shared>>
      tpu.wait_indirect_dma semaphore(%arg16 : memref<!tpu.dma_semaphore, #tpu.memory_space<semaphore_mem>>) src(%arg10 : memref<64x128xf32, #tpu.memory_space<vmem>>) dst(%dma_wait3A_442 : memref<10240x128xf32, #tpu.memory_space<vmem_shared>>)
      %add3A_443 = arith.constant 2 : i32
      %add3A_444 = arith.addi %add3A_422, %add3A_443 : i32
      %lt3A_445 = arith.constant 80 : i32
      %lt3A_446 = arith.cmpi slt, %add3A_444, %lt3A_445 : i32
      %convert_element_type3A_447 = arith.extui %lt3A_446 : i1 to i32
      %cond3A_448 = arith.constant 0 : i32
      %cond3A_449 = arith.cmpi ne, %convert_element_type3A_447, %cond3A_448 : i32
      scf.if %cond3A_449 {
        %add3A_450 = arith.constant 2 : i32
        %add3A_451 = arith.addi %add3A_422, %add3A_450 : i32
        %dma_start3A_452 = arith.constant 0 : i32
        %dma_start3A_453 = tpu.memref_slice %arg6[%add3A_451, %dma_start3A_452] : memref<80x64xi32, #tpu.memory_space<vmem>> -> memref<1x64xi32, #tpu.memory_space<vmem>>
        %dma_start3A_454 = tpu.memref_squeeze %dma_start3A_453 : memref<1x64xi32, #tpu.memory_space<vmem>> -> memref<64xi32, #tpu.memory_space<vmem>>
        %dma_start3A_455 = arith.constant 0 : i32
        %dma_start3A_456 = arith.constant 0 : i32
        %dma_start3A_457 = tpu.memref_slice %arg2[%dma_start3A_455, %dma_start3A_456] : memref<10240x128xf32, #tpu.memory_space<hbm>> -> memref<10240x128xf32, #tpu.memory_space<hbm>>
        tpu.enqueue_indirect_dma source(%dma_start3A_457 : memref<10240x128xf32, #tpu.memory_space<hbm>>) target(%arg10 : memref<64x128xf32, #tpu.memory_space<vmem>>) offsets(%dma_start3A_454 : memref<64xi32, #tpu.memory_space<vmem>>) semaphore(%arg13 : memref<!tpu.dma_semaphore, #tpu.memory_space<semaphore_mem>>)
      } else {
      }
    }
    %scan3A_233 = arith.constant 26 : i32
    %dma_wait3A_234 = arith.constant 0 : i32
    %dma_wait3A_235 = arith.constant 0 : i32
    %dma_wait3A_236 = tpu.memref_slice %arg6[%dma_wait3A_234, %dma_wait3A_235] : memref<80x64xi32, #tpu.memory_space<vmem>> -> memref<1x64xi32, #tpu.memory_space<vmem>>
    %dma_wait3A_237 = tpu.memref_squeeze %dma_wait3A_236 : memref<1x64xi32, #tpu.memory_space<vmem>> -> memref<64xi32, #tpu.memory_space<vmem>>
    %dma_wait3A_238 = arith.constant 0 : i32
    %dma_wait3A_239 = arith.constant 0 : i32
    %dma_wait3A_240 = tpu.memref_slice %arg2[%dma_wait3A_238, %dma_wait3A_239] : memref<10240x128xf32, #tpu.memory_space<hbm>> -> memref<10240x128xf32, #tpu.memory_space<hbm>>
    tpu.wait_indirect_dma semaphore(%arg12 : memref<!tpu.dma_semaphore, #tpu.memory_space<semaphore_mem>>) src(%dma_wait3A_240 : memref<10240x128xf32, #tpu.memory_space<hbm>>) dst(%arg9 : memref<64x128xf32, #tpu.memory_space<vmem>>)
    %dma_start3A_241 = arith.constant 79 : i32
    %dma_start3A_242 = arith.constant 0 : i32
    %dma_start3A_243 = tpu.memref_slice %arg7[%dma_start3A_241, %dma_start3A_242] : memref<80x64xi32, #tpu.memory_space<vmem>> -> memref<1x64xi32, #tpu.memory_space<vmem>>
    %dma_start3A_244 = tpu.memref_squeeze %dma_start3A_243 : memref<1x64xi32, #tpu.memory_space<vmem>> -> memref<64xi32, #tpu.memory_space<vmem>>
    %dma_start3A_245 = arith.constant 0 : i32
    %dma_start3A_246 = arith.constant 0 : i32
    %dma_start3A_247 = tpu.memref_slice %arg17[%dma_start3A_245, %dma_start3A_246] : memref<10240x128xf32, #tpu.memory_space<vmem_shared>> -> memref<10240x128xf32, #tpu.memory_space<vmem_shared>>
    tpu.enqueue_indirect_dma source(%arg9 : memref<64x128xf32, #tpu.memory_space<vmem>>) target(%dma_start3A_247 : memref<10240x128xf32, #tpu.memory_space<vmem_shared>>) offsets(%dma_start3A_244 : memref<64xi32, #tpu.memory_space<vmem>>) semaphore(%arg15 : memref<!tpu.dma_semaphore, #tpu.memory_space<semaphore_mem>>) {add = true}
    %dma_wait3A_248 = arith.constant 0 : i32
    %dma_wait3A_249 = arith.constant 0 : i32
    %dma_wait3A_250 = tpu.memref_slice %arg7[%dma_wait3A_248, %dma_wait3A_249] : memref<80x64xi32, #tpu.memory_space<vmem>> -> memref<1x64xi32, #tpu.memory_space<vmem>>
    %dma_wait3A_251 = tpu.memref_squeeze %dma_wait3A_250 : memref<1x64xi32, #tpu.memory_space<vmem>> -> memref<64xi32, #tpu.memory_space<vmem>>
    %dma_wait3A_252 = arith.constant 0 : i32
    %dma_wait3A_253 = arith.constant 0 : i32
    %dma_wait3A_254 = tpu.memref_slice %arg17[%dma_wait3A_252, %dma_wait3A_253] : memref<10240x128xf32, #tpu.memory_space<vmem_shared>> -> memref<10240x128xf32, #tpu.memory_space<vmem_shared>>
    tpu.wait_indirect_dma semaphore(%arg14 : memref<!tpu.dma_semaphore, #tpu.memory_space<semaphore_mem>>) src(%arg8 : memref<64x128xf32, #tpu.memory_space<vmem>>) dst(%dma_wait3A_254 : memref<10240x128xf32, #tpu.memory_space<vmem_shared>>)
    %dma_wait3A_255 = arith.constant 0 : i32
    %dma_wait3A_256 = arith.constant 0 : i32
    %dma_wait3A_257 = tpu.memref_slice %arg7[%dma_wait3A_255, %dma_wait3A_256] : memref<80x64xi32, #tpu.memory_space<vmem>> -> memref<1x64xi32, #tpu.memory_space<vmem>>
    %dma_wait3A_258 = tpu.memref_squeeze %dma_wait3A_257 : memref<1x64xi32, #tpu.memory_space<vmem>> -> memref<64xi32, #tpu.memory_space<vmem>>
    %dma_wait3A_259 = arith.constant 0 : i32
    %dma_wait3A_260 = arith.constant 0 : i32
    %dma_wait3A_261 = tpu.memref_slice %arg17[%dma_wait3A_259, %dma_wait3A_260] : memref<10240x128xf32, #tpu.memory_space<vmem_shared>> -> memref<10240x128xf32, #tpu.memory_space<vmem_shared>>
    tpu.wait_indirect_dma semaphore(%arg15 : memref<!tpu.dma_semaphore, #tpu.memory_space<semaphore_mem>>) src(%arg9 : memref<64x128xf32, #tpu.memory_space<vmem>>) dst(%dma_wait3A_261 : memref<10240x128xf32, #tpu.memory_space<vmem_shared>>)
    %barrier3A_262 = arith.constant 0 : index
    tpu.barrier barrier_id(%barrier3A_262)
    %mul3A_263 = arith.constant 640 : i32
    %mul3A_264 = arith.muli %arg1, %mul3A_263 : i32
    %add3A_265 = arith.constant 0 : i32
    %add3A_266 = arith.addi %mul3A_264, %add3A_265 : i32
    %mul3A_267 = arith.constant 640 : i32
    %mul3A_268 = arith.muli %arg1, %mul3A_267 : i32
    %add3A_269 = arith.constant 0 : i32
    %add3A_270 = arith.addi %mul3A_268, %add3A_269 : i32
    %dma_start3A_271 = arith.constant 0 : i32
    %dma_start3A_272 = tpu.memref_slice %arg5[%arg0, %add3A_270, %dma_start3A_271] : memref<2x10240x128xf32, #tpu.memory_space<hbm>> -> memref<1x128x128xf32, #tpu.memory_space<hbm>>
    %dma_start3A_273 = tpu.memref_squeeze %dma_start3A_272 : memref<1x128x128xf32, #tpu.memory_space<hbm>> -> memref<128x128xf32, #tpu.memory_space<hbm>>
    %dma_start3A_274 = arith.constant 0 : i32
    %dma_start3A_275 = tpu.memref_slice %arg17[%add3A_266, %dma_start3A_274] : memref<10240x128xf32, #tpu.memory_space<vmem_shared>> -> memref<128x128xf32, #tpu.memory_space<vmem_shared>>
    tpu.enqueue_dma source(%dma_start3A_275 : memref<128x128xf32, #tpu.memory_space<vmem_shared>>) target(%dma_start3A_273 : memref<128x128xf32, #tpu.memory_space<hbm>>) target_semaphore(%arg11 : memref<!tpu.dma_semaphore, #tpu.memory_space<semaphore_mem>>)
    %mul3A_276 = arith.constant 640 : i32
    %mul3A_277 = arith.muli %arg1, %mul3A_276 : i32
    %add3A_278 = arith.constant 128 : i32
    %add3A_279 = arith.addi %mul3A_277, %add3A_278 : i32
    %mul3A_280 = arith.constant 640 : i32
    %mul3A_281 = arith.muli %arg1, %mul3A_280 : i32
    %add3A_282 = arith.constant 128 : i32
    %add3A_283 = arith.addi %mul3A_281, %add3A_282 : i32
    %dma_start3A_284 = arith.constant 0 : i32
    %dma_start3A_285 = tpu.memref_slice %arg5[%arg0, %add3A_283, %dma_start3A_284] : memref<2x10240x128xf32, #tpu.memory_space<hbm>> -> memref<1x128x128xf32, #tpu.memory_space<hbm>>
    %dma_start3A_286 = tpu.memref_squeeze %dma_start3A_285 : memref<1x128x128xf32, #tpu.memory_space<hbm>> -> memref<128x128xf32, #tpu.memory_space<hbm>>
    %dma_start3A_287 = arith.constant 0 : i32
    %dma_start3A_288 = tpu.memref_slice %arg17[%add3A_279, %dma_start3A_287] : memref<10240x128xf32, #tpu.memory_space<vmem_shared>> -> memref<128x128xf32, #tpu.memory_space<vmem_shared>>
    tpu.enqueue_dma source(%dma_start3A_288 : memref<128x128xf32, #tpu.memory_space<vmem_shared>>) target(%dma_start3A_286 : memref<128x128xf32, #tpu.memory_space<hbm>>) target_semaphore(%arg11 : memref<!tpu.dma_semaphore, #tpu.memory_space<semaphore_mem>>)
    %mul3A_289 = arith.constant 640 : i32
    %mul3A_290 = arith.muli %arg1, %mul3A_289 : i32
    %add3A_291 = arith.constant 256 : i32
    %add3A_292 = arith.addi %mul3A_290, %add3A_291 : i32
    %mul3A_293 = arith.constant 640 : i32
    %mul3A_294 = arith.muli %arg1, %mul3A_293 : i32
    %add3A_295 = arith.constant 256 : i32
    %add3A_296 = arith.addi %mul3A_294, %add3A_295 : i32
    %dma_start3A_297 = arith.constant 0 : i32
    %dma_start3A_298 = tpu.memref_slice %arg5[%arg0, %add3A_296, %dma_start3A_297] : memref<2x10240x128xf32, #tpu.memory_space<hbm>> -> memref<1x128x128xf32, #tpu.memory_space<hbm>>
    %dma_start3A_299 = tpu.memref_squeeze %dma_start3A_298 : memref<1x128x128xf32, #tpu.memory_space<hbm>> -> memref<128x128xf32, #tpu.memory_space<hbm>>
    %dma_start3A_300 = arith.constant 0 : i32
    %dma_start3A_301 = tpu.memref_slice %arg17[%add3A_292, %dma_start3A_300] : memref<10240x128xf32, #tpu.memory_space<vmem_shared>> -> memref<128x128xf32, #tpu.memory_space<vmem_shared>>
    tpu.enqueue_dma source(%dma_start3A_301 : memref<128x128xf32, #tpu.memory_space<vmem_shared>>) target(%dma_start3A_299 : memref<128x128xf32, #tpu.memory_space<hbm>>) target_semaphore(%arg11 : memref<!tpu.dma_semaphore, #tpu.memory_space<semaphore_mem>>)
    %mul3A_302 = arith.constant 640 : i32
    %mul3A_303 = arith.muli %arg1, %mul3A_302 : i32
    %add3A_304 = arith.constant 384 : i32
    %add3A_305 = arith.addi %mul3A_303, %add3A_304 : i32
    %mul3A_306 = arith.constant 640 : i32
    %mul3A_307 = arith.muli %arg1, %mul3A_306 : i32
    %add3A_308 = arith.constant 384 : i32
    %add3A_309 = arith.addi %mul3A_307, %add3A_308 : i32
    %dma_start3A_310 = arith.constant 0 : i32
    %dma_start3A_311 = tpu.memref_slice %arg5[%arg0, %add3A_309, %dma_start3A_310] : memref<2x10240x128xf32, #tpu.memory_space<hbm>> -> memref<1x128x128xf32, #tpu.memory_space<hbm>>
    %dma_start3A_312 = tpu.memref_squeeze %dma_start3A_311 : memref<1x128x128xf32, #tpu.memory_space<hbm>> -> memref<128x128xf32, #tpu.memory_space<hbm>>
    %dma_start3A_313 = arith.constant 0 : i32
    %dma_start3A_314 = tpu.memref_slice %arg17[%add3A_305, %dma_start3A_313] : memref<10240x128xf32, #tpu.memory_space<vmem_shared>> -> memref<128x128xf32, #tpu.memory_space<vmem_shared>>
    tpu.enqueue_dma source(%dma_start3A_314 : memref<128x128xf32, #tpu.memory_space<vmem_shared>>) target(%dma_start3A_312 : memref<128x128xf32, #tpu.memory_space<hbm>>) target_semaphore(%arg11 : memref<!tpu.dma_semaphore, #tpu.memory_space<semaphore_mem>>)
    %mul3A_315 = arith.constant 640 : i32
    %mul3A_316 = arith.muli %arg1, %mul3A_315 : i32
    %add3A_317 = arith.constant 512 : i32
    %add3A_318 = arith.addi %mul3A_316, %add3A_317 : i32
    %mul3A_319 = arith.constant 640 : i32
    %mul3A_320 = arith.muli %arg1, %mul3A_319 : i32
    %add3A_321 = arith.constant 512 : i32
    %add3A_322 = arith.addi %mul3A_320, %add3A_321 : i32
    %dma_start3A_323 = arith.constant 0 : i32
    %dma_start3A_324 = tpu.memref_slice %arg5[%arg0, %add3A_322, %dma_start3A_323] : memref<2x10240x128xf32, #tpu.memory_space<hbm>> -> memref<1x128x128xf32, #tpu.memory_space<hbm>>
    %dma_start3A_325 = tpu.memref_squeeze %dma_start3A_324 : memref<1x128x128xf32, #tpu.memory_space<hbm>> -> memref<128x128xf32, #tpu.memory_space<hbm>>
    %dma_start3A_326 = arith.constant 0 : i32
    %dma_start3A_327 = tpu.memref_slice %arg17[%add3A_318, %dma_start3A_326] : memref<10240x128xf32, #tpu.memory_space<vmem_shared>> -> memref<128x128xf32, #tpu.memory_space<vmem_shared>>
    tpu.enqueue_dma source(%dma_start3A_327 : memref<128x128xf32, #tpu.memory_space<vmem_shared>>) target(%dma_start3A_325 : memref<128x128xf32, #tpu.memory_space<hbm>>) target_semaphore(%arg11 : memref<!tpu.dma_semaphore, #tpu.memory_space<semaphore_mem>>)
    %dma_wait3A_328 = arith.constant 0 : i32
    %dma_wait3A_329 = tpu.memref_slice %arg5[%arg0, %add3A_270, %dma_wait3A_328] : memref<2x10240x128xf32, #tpu.memory_space<hbm>> -> memref<1x128x128xf32, #tpu.memory_space<hbm>>
    %dma_wait3A_330 = tpu.memref_squeeze %dma_wait3A_329 : memref<1x128x128xf32, #tpu.memory_space<hbm>> -> memref<128x128xf32, #tpu.memory_space<hbm>>
    %dma_wait3A_331 = arith.constant 0 : i32
    %dma_wait3A_332 = tpu.memref_slice %arg17[%add3A_266, %dma_wait3A_331] : memref<10240x128xf32, #tpu.memory_space<vmem_shared>> -> memref<128x128xf32, #tpu.memory_space<vmem_shared>>
    tpu.wait_dma2 semaphore(%arg11 : memref<!tpu.dma_semaphore, #tpu.memory_space<semaphore_mem>>) src(%dma_wait3A_332 : memref<128x128xf32, #tpu.memory_space<vmem_shared>>) dst(%dma_wait3A_330 : memref<128x128xf32, #tpu.memory_space<hbm>>)
    %dma_wait3A_333 = arith.constant 0 : i32
    %dma_wait3A_334 = tpu.memref_slice %arg5[%arg0, %add3A_283, %dma_wait3A_333] : memref<2x10240x128xf32, #tpu.memory_space<hbm>> -> memref<1x128x128xf32, #tpu.memory_space<hbm>>
    %dma_wait3A_335 = tpu.memref_squeeze %dma_wait3A_334 : memref<1x128x128xf32, #tpu.memory_space<hbm>> -> memref<128x128xf32, #tpu.memory_space<hbm>>
    %dma_wait3A_336 = arith.constant 0 : i32
    %dma_wait3A_337 = tpu.memref_slice %arg17[%add3A_279, %dma_wait3A_336] : memref<10240x128xf32, #tpu.memory_space<vmem_shared>> -> memref<128x128xf32, #tpu.memory_space<vmem_shared>>
    tpu.wait_dma2 semaphore(%arg11 : memref<!tpu.dma_semaphore, #tpu.memory_space<semaphore_mem>>) src(%dma_wait3A_337 : memref<128x128xf32, #tpu.memory_space<vmem_shared>>) dst(%dma_wait3A_335 : memref<128x128xf32, #tpu.memory_space<hbm>>)
    %dma_wait3A_338 = arith.constant 0 : i32
    %dma_wait3A_339 = tpu.memref_slice %arg5[%arg0, %add3A_296, %dma_wait3A_338] : memref<2x10240x128xf32, #tpu.memory_space<hbm>> -> memref<1x128x128xf32, #tpu.memory_space<hbm>>
    %dma_wait3A_340 = tpu.memref_squeeze %dma_wait3A_339 : memref<1x128x128xf32, #tpu.memory_space<hbm>> -> memref<128x128xf32, #tpu.memory_space<hbm>>
    %dma_wait3A_341 = arith.constant 0 : i32
    %dma_wait3A_342 = tpu.memref_slice %arg17[%add3A_292, %dma_wait3A_341] : memref<10240x128xf32, #tpu.memory_space<vmem_shared>> -> memref<128x128xf32, #tpu.memory_space<vmem_shared>>
    tpu.wait_dma2 semaphore(%arg11 : memref<!tpu.dma_semaphore, #tpu.memory_space<semaphore_mem>>) src(%dma_wait3A_342 : memref<128x128xf32, #tpu.memory_space<vmem_shared>>) dst(%dma_wait3A_340 : memref<128x128xf32, #tpu.memory_space<hbm>>)
    %dma_wait3A_343 = arith.constant 0 : i32
    %dma_wait3A_344 = tpu.memref_slice %arg5[%arg0, %add3A_309, %dma_wait3A_343] : memref<2x10240x128xf32, #tpu.memory_space<hbm>> -> memref<1x128x128xf32, #tpu.memory_space<hbm>>
    %dma_wait3A_345 = tpu.memref_squeeze %dma_wait3A_344 : memref<1x128x128xf32, #tpu.memory_space<hbm>> -> memref<128x128xf32, #tpu.memory_space<hbm>>
    %dma_wait3A_346 = arith.constant 0 : i32
    %dma_wait3A_347 = tpu.memref_slice %arg17[%add3A_305, %dma_wait3A_346] : memref<10240x128xf32, #tpu.memory_space<vmem_shared>> -> memref<128x128xf32, #tpu.memory_space<vmem_shared>>
    tpu.wait_dma2 semaphore(%arg11 : memref<!tpu.dma_semaphore, #tpu.memory_space<semaphore_mem>>) src(%dma_wait3A_347 : memref<128x128xf32, #tpu.memory_space<vmem_shared>>) dst(%dma_wait3A_345 : memref<128x128xf32, #tpu.memory_space<hbm>>)
    %dma_wait3A_348 = arith.constant 0 : i32
    %dma_wait3A_349 = tpu.memref_slice %arg5[%arg0, %add3A_322, %dma_wait3A_348] : memref<2x10240x128xf32, #tpu.memory_space<hbm>> -> memref<1x128x128xf32, #tpu.memory_space<hbm>>
    %dma_wait3A_350 = tpu.memref_squeeze %dma_wait3A_349 : memref<1x128x128xf32, #tpu.memory_space<hbm>> -> memref<128x128xf32, #tpu.memory_space<hbm>>
    %dma_wait3A_351 = arith.constant 0 : i32
    %dma_wait3A_352 = tpu.memref_slice %arg17[%add3A_318, %dma_wait3A_351] : memref<10240x128xf32, #tpu.memory_space<vmem_shared>> -> memref<128x128xf32, #tpu.memory_space<vmem_shared>>
    tpu.wait_dma2 semaphore(%arg11 : memref<!tpu.dma_semaphore, #tpu.memory_space<semaphore_mem>>) src(%dma_wait3A_352 : memref<128x128xf32, #tpu.memory_space<vmem_shared>>) dst(%dma_wait3A_350 : memref<128x128xf32, #tpu.memory_space<hbm>>)
    return
  }
}

#map = affine_map<(d0, d1) -> (0)>
#map1 = affine_map<(d0, d1) -> (0, 0)>
module attributes {stable_mosaic.version = 14 : i64} {
  func.func @_sc_hist(%arg0: i32, %arg1: i32, %arg2: memref<320000xi32, #tpu.memory_space<hbm>>, %arg3: memref<32x10240xi32, #tpu.memory_space<hbm>>, %arg4: memref<10000xi32, #tpu.memory_space<vmem>>, %arg5: memref<10240xi32, #tpu.memory_space<vmem>>) attributes {dimension_semantics = [#tpu.dimension_semantics<core_parallel>, #tpu.dimension_semantics<subcore_parallel>], iteration_bounds = array<i64: 2, 16>, scalar_prefetch = 0 : i64, scratch_operands = 2 : i64, tpu.core_type = #tpu.core_type<sc_vector_subcore>, window_params = [{transform_indices = #map}, {transform_indices = #map1}]} {
    %mul3A = arith.constant 16 : i32
    %mul3A_0 = arith.muli %arg0, %mul3A : i32
    %add3A = arith.addi %mul3A_0, %arg1 : i32
    %mul3A_1 = arith.constant 10000 : i32
    %mul3A_2 = arith.muli %add3A, %mul3A_1 : i32
    "tpu.region"() ({
      %run_scoped3A = tpu.sem_alloc : memref<!tpu.dma_semaphore, #tpu.memory_space<semaphore_mem>>
      %dma_start3A = tpu.memref_slice %arg2[%mul3A_2] : memref<320000xi32, #tpu.memory_space<hbm>> -> memref<10000xi32, #tpu.memory_space<hbm>>
      %dma_start3A_15 = tpu.memref_slice %arg2[%mul3A_2] : memref<320000xi32, #tpu.memory_space<hbm>> -> memref<10000xi32, #tpu.memory_space<hbm>>
      tpu.enqueue_dma source(%dma_start3A_15 : memref<10000xi32, #tpu.memory_space<hbm>>) target(%arg4 : memref<10000xi32, #tpu.memory_space<vmem>>) target_semaphore(%run_scoped3A : memref<!tpu.dma_semaphore, #tpu.memory_space<semaphore_mem>>)
      %dma_wait3A = tpu.memref_slice %arg2[%mul3A_2] : memref<320000xi32, #tpu.memory_space<hbm>> -> memref<10000xi32, #tpu.memory_space<hbm>>
      %dma_wait3A_16 = tpu.memref_slice %arg2[%mul3A_2] : memref<320000xi32, #tpu.memory_space<hbm>> -> memref<10000xi32, #tpu.memory_space<hbm>>
      tpu.wait_dma2 semaphore(%run_scoped3A : memref<!tpu.dma_semaphore, #tpu.memory_space<semaphore_mem>>) src(%dma_wait3A_16 : memref<10000xi32, #tpu.memory_space<hbm>>) dst(%arg4 : memref<10000xi32, #tpu.memory_space<vmem>>)
      tpu.yield
    }) : () -> ()
    %scan3A = arith.constant 0 : i32
    %scan3A_3 = arith.constant 0 : i32
    %scan3A_4 = arith.constant 640 : i32
    %scan3A_5 = arith.addi %scan3A_3, %scan3A_4 : i32
    %scan3A_6 = arith.constant 1 : i32
    scf.for %scan3A_15 = %scan3A_3 to %scan3A_5 step %scan3A_6  : i32 {
      %broadcast_in_dim3A_16 = arith.constant 0 : i32
      %broadcast_in_dim3A_17 = vector.broadcast %broadcast_in_dim3A_16 : i32 to vector<16xi32>
      %mul3A_18 = arith.constant 16 : i32
      %mul3A_19 = arith.muli %scan3A_15, %mul3A_18 : i32
      %swap3A = arith.index_cast %mul3A_19 : i32 to index
      %swap3A_20 = tpu.vector_load %arg5[%swap3A] {strides = array<i32>} : memref<10240xi32, #tpu.memory_space<vmem>>, vector<16xi32>,
      tpu.vector_store %arg5[%swap3A], %broadcast_in_dim3A_17 {strides = array<i32>} : memref<10240xi32, #tpu.memory_space<vmem>>, vector<16xi32>,
    }
    %scan3A_7 = arith.constant 640 : i32
    %broadcast_in_dim3A = arith.constant 1 : i32
    %broadcast_in_dim3A_8 = vector.broadcast %broadcast_in_dim3A : i32 to vector<16xi32>
    %scan3A_9 = arith.constant 0 : i32
    %scan3A_10 = arith.constant 0 : i32
    %scan3A_11 = arith.constant 625 : i32
    %scan3A_12 = arith.addi %scan3A_10, %scan3A_11 : i32
    %scan3A_13 = arith.constant 1 : i32
    scf.for %scan3A_15 = %scan3A_10 to %scan3A_12 step %scan3A_13  : i32 {
      %mul3A_16 = arith.constant 16 : i32
      %mul3A_17 = arith.muli %scan3A_15, %mul3A_16 : i32
      %get3A = arith.index_cast %mul3A_17 : i32 to index
      %get3A_18 = tpu.vector_load %arg4[%get3A] {strides = array<i32>} : memref<10000xi32, #tpu.memory_space<vmem>>, vector<16xi32>,
      tpu.vector_store_idx %arg5[%get3A_18], %broadcast_in_dim3A_8 {add = true} : memref<10240xi32, #tpu.memory_space<vmem>>[vector<16xi32>], vector<16xi32>,
    }
    %scan3A_14 = arith.constant 625 : i32
    "tpu.region"() ({
      %run_scoped3A = tpu.sem_alloc : memref<!tpu.dma_semaphore, #tpu.memory_space<semaphore_mem>>
      %dma_start3A = arith.constant 0 : i32
      %dma_start3A_15 = tpu.memref_slice %arg3[%add3A, %dma_start3A] : memref<32x10240xi32, #tpu.memory_space<hbm>> -> memref<1x10240xi32, #tpu.memory_space<hbm>>
      %dma_start3A_16 = tpu.memref_squeeze %dma_start3A_15 : memref<1x10240xi32, #tpu.memory_space<hbm>> -> memref<10240xi32, #tpu.memory_space<hbm>>
      %dma_start3A_17 = arith.constant 0 : i32
      %dma_start3A_18 = tpu.memref_slice %arg3[%add3A, %dma_start3A_17] : memref<32x10240xi32, #tpu.memory_space<hbm>> -> memref<1x10240xi32, #tpu.memory_space<hbm>>
      %dma_start3A_19 = tpu.memref_squeeze %dma_start3A_18 : memref<1x10240xi32, #tpu.memory_space<hbm>> -> memref<10240xi32, #tpu.memory_space<hbm>>
      tpu.enqueue_dma source(%arg5 : memref<10240xi32, #tpu.memory_space<vmem>>) target(%dma_start3A_19 : memref<10240xi32, #tpu.memory_space<hbm>>) target_semaphore(%run_scoped3A : memref<!tpu.dma_semaphore, #tpu.memory_space<semaphore_mem>>)
      %dma_wait3A = arith.constant 0 : i32
      %dma_wait3A_20 = tpu.memref_slice %arg3[%add3A, %dma_wait3A] : memref<32x10240xi32, #tpu.memory_space<hbm>> -> memref<1x10240xi32, #tpu.memory_space<hbm>>
      %dma_wait3A_21 = tpu.memref_squeeze %dma_wait3A_20 : memref<1x10240xi32, #tpu.memory_space<hbm>> -> memref<10240xi32, #tpu.memory_space<hbm>>
      %dma_wait3A_22 = arith.constant 0 : i32
      %dma_wait3A_23 = tpu.memref_slice %arg3[%add3A, %dma_wait3A_22] : memref<32x10240xi32, #tpu.memory_space<hbm>> -> memref<1x10240xi32, #tpu.memory_space<hbm>>
      %dma_wait3A_24 = tpu.memref_squeeze %dma_wait3A_23 : memref<1x10240xi32, #tpu.memory_space<hbm>> -> memref<10240xi32, #tpu.memory_space<hbm>>
      tpu.wait_dma2 semaphore(%run_scoped3A : memref<!tpu.dma_semaphore, #tpu.memory_space<semaphore_mem>>) src(%arg5 : memref<10240xi32, #tpu.memory_space<vmem>>) dst(%dma_wait3A_24 : memref<10240xi32, #tpu.memory_space<hbm>>)
      tpu.yield
    }) : () -> ()
    return
  }
}

module attributes {stable_mosaic.version = 14 : i64} {
  func.func @_tc_scale_body(%arg0: memref<32x10240xi32, #tpu.memory_space<vmem>>, %arg1: memref<10000x128xf32, #tpu.memory_space<vmem>>, %arg2: memref<10240x128xf32, #tpu.memory_space<vmem>>) attributes {dimension_semantics = [], scalar_prefetch = 0 : i64, scratch_operands = 0 : i64, tpu.core_type = #tpu.core_type<tc>} {
    %get3A = arith.constant 0 : index
    %get3A_0 = arith.constant 0 : index
    %get3A_1 = vector.load %arg0[%get3A, %get3A_0] : memref<32x10240xi32, #tpu.memory_space<vmem>>, vector<32x10240xi32>
    %reduce_sum3A = arith.constant dense<0> : vector<10240xi32>
    %reduce_sum3A_2 = vector.multi_reduction <add>, %get3A_1, %reduce_sum3A [0] : vector<32x10240xi32> to vector<10240xi32>
    %convert_element_type3A = arith.sitofp %reduce_sum3A_2 : vector<10240xi32> to vector<10240xf32>
    %add3A = arith.constant 1.000000e+00 : f32
    %add3A_3 = vector.broadcast %add3A : f32 to vector<10240xf32>
    %add3A_4 = arith.addf %convert_element_type3A, %add3A_3 : vector<10240xf32>
    %rsqrt3A = math.rsqrt %add3A_4 : vector<10240xf32>
    %get3A_5 = arith.constant 0 : index
    %get3A_6 = arith.constant 0 : index
    %get3A_7 = vector.load %arg1[%get3A_5, %get3A_6] : memref<10000x128xf32, #tpu.memory_space<vmem>>, vector<10000x128xf32>
    %slice3A = vector.extract_strided_slice %rsqrt3A {offsets = [0], sizes = [10000], strides = [1]} : vector<10240xf32> to vector<10000xf32>
    %broadcast_in_dim3A = vector.shape_cast %slice3A : vector<10000xf32> to vector<10000x1xf32>
    %mul3A = vector.broadcast %broadcast_in_dim3A : vector<10000x1xf32> to vector<10000x128xf32>
    %mul3A_8 = arith.mulf %get3A_7, %mul3A : vector<10000x128xf32>
    %swap3A = arith.constant 0 : index
    %swap3A_9 = arith.constant 0 : index
    %swap3A_10 = vector.load %arg2[%swap3A, %swap3A_9] : memref<10240x128xf32, #tpu.memory_space<vmem>>, vector<10000x128xf32>
    tpu.vector_store %arg2[%swap3A, %swap3A_9], %mul3A_8 {strides = array<i32>} : memref<10240x128xf32, #tpu.memory_space<vmem>>, vector<10000x128xf32>,
    %broadcast_in_dim3A_11 = arith.constant 0.000000e+00 : f32
    %broadcast_in_dim3A_12 = vector.broadcast %broadcast_in_dim3A_11 : f32 to vector<240x128xf32>
    %swap3A_13 = arith.constant 10000 : index
    %swap3A_14 = arith.constant 0 : index
    %swap3A_15 = vector.load %arg2[%swap3A_13, %swap3A_14] : memref<10240x128xf32, #tpu.memory_space<vmem>>, vector<240x128xf32>
    tpu.vector_store %arg2[%swap3A_13, %swap3A_14], %broadcast_in_dim3A_12 {strides = array<i32>} : memref<10240x128xf32, #tpu.memory_space<vmem>>, vector<240x128xf32>,
    return
  }
}

module attributes {stable_mosaic.version = 14 : i64} {
  func.func @_tc_final_body(%arg0: memref<2x10240x128xf32, #tpu.memory_space<vmem>>, %arg1: memref<10000x128xf32, #tpu.memory_space<vmem>>, %arg2: memref<32x10240xi32, #tpu.memory_space<vmem>>, %arg3: memref<128x128xf32, #tpu.memory_space<vmem>>, %arg4: memref<1x128xf32, #tpu.memory_space<vmem>>, %arg5: memref<1x128xf32, #tpu.memory_space<vmem>>, %arg6: memref<10000x128xf32, #tpu.memory_space<vmem>>) attributes {dimension_semantics = [], scalar_prefetch = 0 : i64, scratch_operands = 0 : i64, tpu.core_type = #tpu.core_type<tc>} {
    %get3A = arith.constant 0 : index
    %get3A_0 = arith.constant 0 : index
    %get3A_1 = vector.load %arg2[%get3A, %get3A_0] : memref<32x10240xi32, #tpu.memory_space<vmem>>, vector<32x10240xi32>
    %reduce_sum3A = arith.constant dense<0> : vector<10240xi32>
    %reduce_sum3A_2 = vector.multi_reduction <add>, %get3A_1, %reduce_sum3A [0] : vector<32x10240xi32> to vector<10240xi32>
    %convert_element_type3A = arith.sitofp %reduce_sum3A_2 : vector<10240xi32> to vector<10240xf32>
    %add3A = arith.constant 1.000000e+00 : f32
    %add3A_3 = vector.broadcast %add3A : f32 to vector<10240xf32>
    %add3A_4 = arith.addf %convert_element_type3A, %add3A_3 : vector<10240xf32>
    %slice3A = vector.extract_strided_slice %add3A_4 {offsets = [0], sizes = [10000], strides = [1]} : vector<10240xf32> to vector<10000xf32>
    %rsqrt3A = math.rsqrt %slice3A : vector<10000xf32>
    %get3A_5 = arith.constant 0 : index
    %get3A_6 = arith.constant 0 : index
    %get3A_7 = arith.constant 0 : index
    %get3A_8 = vector.load %arg0[%get3A_5, %get3A_6, %get3A_7] : memref<2x10240x128xf32, #tpu.memory_space<vmem>>, vector<1x10240x128xf32>
    %get3A_9 = vector.shape_cast %get3A_8 : vector<1x10240x128xf32> to vector<10240x128xf32>
    %get3A_10 = arith.constant 1 : index
    %get3A_11 = arith.constant 0 : index
    %get3A_12 = arith.constant 0 : index
    %get3A_13 = vector.load %arg0[%get3A_10, %get3A_11, %get3A_12] : memref<2x10240x128xf32, #tpu.memory_space<vmem>>, vector<1x10240x128xf32>
    %get3A_14 = vector.shape_cast %get3A_13 : vector<1x10240x128xf32> to vector<10240x128xf32>
    %add3A_15 = arith.addf %get3A_9, %get3A_14 : vector<10240x128xf32>
    %slice3A_16 = vector.extract_strided_slice %add3A_15 {offsets = [0, 0], sizes = [10000, 128], strides = [1, 1]} : vector<10240x128xf32> to vector<10000x128xf32>
    %get3A_17 = arith.constant 0 : index
    %get3A_18 = arith.constant 0 : index
    %get3A_19 = vector.load %arg1[%get3A_17, %get3A_18] : memref<10000x128xf32, #tpu.memory_space<vmem>>, vector<10000x128xf32>
    %broadcast_in_dim3A = vector.shape_cast %rsqrt3A : vector<10000xf32> to vector<10000x1xf32>
    %mul3A = vector.broadcast %broadcast_in_dim3A : vector<10000x1xf32> to vector<10000x128xf32>
    %mul3A_20 = arith.mulf %slice3A_16, %mul3A : vector<10000x128xf32>
    %mul3A_21 = arith.mulf %rsqrt3A, %rsqrt3A : vector<10000xf32>
    %broadcast_in_dim3A_22 = vector.shape_cast %mul3A_21 : vector<10000xf32> to vector<10000x1xf32>
    %mul3A_23 = vector.broadcast %broadcast_in_dim3A_22 : vector<10000x1xf32> to vector<10000x128xf32>
    %mul3A_24 = arith.mulf %get3A_19, %mul3A_23 : vector<10000x128xf32>
    %add3A_25 = arith.addf %mul3A_20, %mul3A_24 : vector<10000x128xf32>
    %get3A_26 = arith.constant 0 : index
    %get3A_27 = arith.constant 0 : index
    %get3A_28 = vector.load %arg3[%get3A_26, %get3A_27] : memref<128x128xf32, #tpu.memory_space<vmem>>, vector<128x128xf32>
    %dot_general3A = arith.constant dense<0.000000e+00> : vector<10000x128xf32>
    %dot_general3A_29 = tpu.matmul %add3A_25, %get3A_28, %dot_general3A {dimension_numbers = #tpu.dot_dimension_numbers<[1], [1], [0], [0], [0, 0, 1, 0], [], []>, transpose_lhs_hint = false} : vector<10000x128xf32>, vector<128x128xf32>, vector<10000x128xf32> -> vector<10000x128xf32>
    %max3A = arith.constant 0.000000e+00 : f32
    %max3A_30 = vector.broadcast %max3A : f32 to vector<10000x128xf32>
    %max3A_31 = arith.maximumf %dot_general3A_29, %max3A_30 : vector<10000x128xf32>
    %reduce_sum3A_32 = arith.constant dense<0.000000e+00> : vector<128xf32>
    %reduce_sum3A_33 = vector.multi_reduction <add>, %max3A_31, %reduce_sum3A_32 [0] : vector<10000x128xf32> to vector<128xf32>
    %div3A = arith.constant 1.000000e+04 : f32
    %div3A_34 = vector.broadcast %div3A : f32 to vector<128xf32>
    %div3A_35 = arith.divf %reduce_sum3A_33, %div3A_34 : vector<128xf32>
    %broadcast_in_dim3A_36 = vector.shape_cast %div3A_35 : vector<128xf32> to vector<1x128xf32>
    %sub3A = vector.broadcast %broadcast_in_dim3A_36 : vector<1x128xf32> to vector<10000x128xf32>
    %sub3A_37 = arith.subf %max3A_31, %sub3A : vector<10000x128xf32>
    %integer_pow3A = arith.mulf %sub3A_37, %sub3A_37 : vector<10000x128xf32>
    %reduce_sum3A_38 = arith.constant dense<0.000000e+00> : vector<128xf32>
    %reduce_sum3A_39 = vector.multi_reduction <add>, %integer_pow3A, %reduce_sum3A_38 [0] : vector<10000x128xf32> to vector<128xf32>
    %div3A_40 = arith.constant 1.000000e+04 : f32
    %div3A_41 = vector.broadcast %div3A_40 : f32 to vector<128xf32>
    %div3A_42 = arith.divf %reduce_sum3A_39, %div3A_41 : vector<128xf32>
    %broadcast_in_dim3A_43 = vector.shape_cast %div3A_35 : vector<128xf32> to vector<1x128xf32>
    %sub3A_44 = vector.broadcast %broadcast_in_dim3A_43 : vector<1x128xf32> to vector<10000x128xf32>
    %sub3A_45 = arith.subf %max3A_31, %sub3A_44 : vector<10000x128xf32>
    %add3A_46 = arith.constant 9.99999974E-6 : f32
    %add3A_47 = vector.broadcast %add3A_46 : f32 to vector<128xf32>
    %add3A_48 = arith.addf %div3A_42, %add3A_47 : vector<128xf32>
    %rsqrt3A_49 = math.rsqrt %add3A_48 : vector<128xf32>
    %broadcast_in_dim3A_50 = vector.shape_cast %rsqrt3A_49 : vector<128xf32> to vector<1x128xf32>
    %mul3A_51 = vector.broadcast %broadcast_in_dim3A_50 : vector<1x128xf32> to vector<10000x128xf32>
    %mul3A_52 = arith.mulf %sub3A_45, %mul3A_51 : vector<10000x128xf32>
    %get3A_53 = arith.constant 0 : index
    %get3A_54 = arith.constant 0 : index
    %get3A_55 = vector.load %arg4[%get3A_53, %get3A_54] : memref<1x128xf32, #tpu.memory_space<vmem>>, vector<1x128xf32>
    %get3A_56 = vector.shape_cast %get3A_55 : vector<1x128xf32> to vector<128xf32>
    %broadcast_in_dim3A_57 = vector.shape_cast %get3A_56 : vector<128xf32> to vector<1x128xf32>
    %mul3A_58 = vector.broadcast %broadcast_in_dim3A_57 : vector<1x128xf32> to vector<10000x128xf32>
    %mul3A_59 = arith.mulf %mul3A_52, %mul3A_58 : vector<10000x128xf32>
    %get3A_60 = arith.constant 0 : index
    %get3A_61 = arith.constant 0 : index
    %get3A_62 = vector.load %arg5[%get3A_60, %get3A_61] : memref<1x128xf32, #tpu.memory_space<vmem>>, vector<1x128xf32>
    %get3A_63 = vector.shape_cast %get3A_62 : vector<1x128xf32> to vector<128xf32>
    %broadcast_in_dim3A_64 = vector.shape_cast %get3A_63 : vector<128xf32> to vector<1x128xf32>
    %add3A_65 = vector.broadcast %broadcast_in_dim3A_64 : vector<1x128xf32> to vector<10000x128xf32>
    %add3A_66 = arith.addf %mul3A_59, %add3A_65 : vector<10000x128xf32>
    %tanh3A = math.tanh %add3A_66 : vector<10000x128xf32>
    %add3A_67 = arith.addf %tanh3A, %get3A_19 : vector<10000x128xf32>
    %swap3A = arith.constant 0 : index
    %swap3A_68 = arith.constant 0 : index
    %swap3A_69 = vector.load %arg6[%swap3A, %swap3A_68] : memref<10000x128xf32, #tpu.memory_space<vmem>>, vector<10000x128xf32>
    tpu.vector_store %arg6[%swap3A, %swap3A_68], %add3A_67 {strides = array<i32>} : memref<10000x128xf32, #tpu.memory_space<vmem>>, vector<10000x128xf32>,
    return
  }
}

</mosaic_0001>

<sc_bundles>
// kernel: kernel.6.cloned.1.call-start
scs
__scs_entry_jumppad:
0x0: {  	(pc) =	sbr.rel $0x88, $3  }
0x1: {  	(tag) =	ssettag $0x0;
	lr =	simm.s32 $0x1  }
0x2: {  	[smem:$0x3F9C] =	sst lr;
	_ =	strace $0xD0000000  }
0x3: {  	_ = 	snop  }
0x4: {  	_ = 	snop  }
0x5: {  	_ = 	snop  }
0x6: {  	_ = 	snop  }
0x7: {  	_ = 	snop  }
__scs_overlays_trampoline_lowered:
0x8: {  	[smem:$0x3FAB] =	sst s0  }
0x9: {  	[smem:$0x3FAC] =	sst s1  }
0xa: {  	[smem:$0x3FAD] =	sst s2  }
0xb: {  	[smem:$0x3FAE] =	sst s3  }
0xc: {  	[smem:$0x3FAF] =	sst s4  }
0xd: {  	[smem:$0x3FB0] =	sst s5  }
0xe: {  	[smem:$0x3FB1] =	sst s6  }
0xf: {  	[smem:$0x3FB2] =	sst s7  }
0x10: {  	[smem:$0x3FB3] =	sst s8  }
0x11: {  	[smem:$0x3FB4] =	sst s9;
	s0 =	simm.s32 @!p0 $0x0  }
0x12: {  	s1 =	sld [smem:$0x3F9A];
	s0 =	simm.s32 @p0 $0x1  }
0x13: {  	[smem:$0x3FB5] =	sst s0;
	s0 =	simm.s32 @!p1 $0x0  }
0x14: {  	s2 =	sld [smem:$0x3F99];
	s0 =	simm.s32 @p1 $0x1  }
0x15: {  	[smem:$0x3FB6] =	sst s0;
	s0 =	simm.s32 @!p2 $0x0  }
0x16: {  	s3 =	sld [smem:$0x3FDB];
	s0 =	simm.s32 @p2 $0x1  }
0x17: {  	s4 =	simm.s32 $0x1BF5;
	[smem:$0x3FB8] =	sst s0  }
0x18: {  	s0 =	sld [smem:$0x3F9B];
	_ =	swait.ge [sflag:s4], $0x0  }
0x19: {  	s7 =	sld [smem:$0x3F9C]  }
0x1a: {  	s8 =	sadd.s32 $0xFFFFE003, lr  }
0x1b: {  	s9 =	sadd.s32 $0xFFFFFEF7, lr;
	s5 =	simm.s32 $0xFFFFFFFF;
	p2 =	slt.u32 s8, $0xFFFFF086  }
0x1c: {  	p1 =	slt.u32 s9, $0xF7A;
	s5 =	simm.s32 @!p2 $0x0  }
0x1d: {  	s5 =	simm.s32 @p1 $0x1;
	p0 =	seq.s32 s7, s2  }
0x1e: {  	s7 =	smul.u32 @!p0 $0xF7A, s2;
	p2 =	seq.s32 @!p0 s5, $0x0  }
0x1f: {  	s9 =	smul.u32 $0xF7A, s1;
	s8 =	simm.s32 @!p0 $0x1BF5;
	p2 =	por !p2, p0  }
0x20: {  	[sflag:s8] =	ssyncset.s32 @!p0 $0xFFFFF086;
	s6 =	sadd.s32 @!p0 s3, s7;
	s7 =	simm.s32 @!p0 $0x108  }
0x21: {  	s3 =	sadd.s32 s3, s9;
	s6 =	sadd.s32 @!p0 $0x88, s6;
	s7 =	simm.s32 @p2 $0x1082  }
0x22: {  	[simem:s7], [sflag:s8] =	dma.local @!p0 [hbm:s6], $0xF7A  }
0x23: {  	s9 =	sor.u32 $0xD0000000, s2;
	s6 =	simm.s32 $0x108;
	_ =	swait.ge @!p0 [sflag:s8], $0x0  }
0x24: {  	s3 =	sadd.s32 $0x88, s3;
	s6 =	simm.s32 @!p1 $0x1082;
	[sflag:s4] =	ssyncset.s32 $0xFFFFF086  }
0x25: {  	[simem:s6], [sflag:s4] =	dma.local [hbm:s3], $0xF7A  }
0x26: {  	[smem:$0x3F9C] =	sst s1;
	(tag) =	ssettag s2;
	_ =	strace s9  }
0x27: {  	s1 =	sld [smem:$0x3FAC]  }
0x28: {  	s2 =	sld [smem:$0x3FAD]  }
0x29: {  	s4 =	sld [smem:$0x3FAF]  }
0x2a: {  	p0 =	seq.s32 s5, $0x0;
	s5 =	sld [smem:$0x3FB0]  }
0x2b: {  	s6 =	sld [smem:$0x3FB1]  }
0x2c: {  	s7 =	sld [smem:$0x3FB2]  }
0x2d: {  	s3 =	simm.s32 $0x108;
	s8 =	sld [smem:$0x3FB3]  }
0x2e: {  	s3 =	simm.s32 @!p0 $0x1082;
	s9 =	sld [smem:$0x3FB4]  }
0x2f: {  	lr =	sadd.s32 s0, s3;
	s0 =	sld [smem:$0x3FAB]  }
0x30: {  	s3 =	sld [smem:$0x3FAE]  }
0x31: {  	[smem:$0x3FB7] =	sst s10  }
0x32: {  	s10 =	sld [smem:$0x3FB5];
	_ =	sdelay $0x3  }
0x33: {  	p0 =	seq.s32 s10, $0x1;
	s10 =	sld [smem:$0x3FB7];
	_ =	sdelay $0x3  }
0x34: {  	[smem:$0x3FB7] =	sst s10  }
0x35: {  	s10 =	sld [smem:$0x3FB6];
	_ =	sdelay $0x3  }
0x36: {  	p1 =	seq.s32 s10, $0x1;
	s10 =	sld [smem:$0x3FB7];
	_ =	sdelay $0x3  }
0x37: {  	[smem:$0x3FB7] =	sst s10  }
0x38: {  	s10 =	sld [smem:$0x3FB8]  }
0x39: {  	_ = 	snop;
	(pc) =	sbr.ind lr, $3  }
0x3a: {  	_ = 	snop  }
0x3b: {  	_ = 	snop  }
0x3c: {  	p2 =	seq.s32 s10, $0x1;
	s10 =	sld [smem:$0x3FB7]  }
0x3d: {  	_ =	shalt  }
0x3e: {  	_ =	shalt  }
0x3f: {  	_ =	shalt  }
0x40: {  	_ =	shalt  }
0x41: {  	_ =	shalt  }
0x42: {  	_ =	shalt  }
0x43: {  	_ =	shalt  }
0x44: {  	_ =	shalt  }
0x45: {  	_ =	shalt  }
0x46: {  	_ =	shalt  }
0x47: {  	_ =	shalt  }
0x48: {  	_ =	shalt  }
0x49: {  	_ =	shalt  }
0x4a: {  	_ =	shalt  }
0x4b: {  	_ =	shalt  }
0x4c: {  	_ =	shalt  }
0x4d: {  	_ =	shalt  }
0x4e: {  	_ =	shalt  }
0x4f: {  	_ =	shalt  }
0x50: {  	_ =	shalt  }
0x51: {  	_ =	shalt  }
0x52: {  	_ =	shalt  }
0x53: {  	_ =	shalt  }
0x54: {  	_ =	shalt  }
0x55: {  	_ =	shalt  }
0x56: {  	_ =	shalt  }
0x57: {  	_ =	shalt  }
0x58: {  	_ =	shalt  }
0x59: {  	_ =	shalt  }
0x5a: {  	_ =	shalt  }
0x5b: {  	_ =	shalt  }
0x5c: {  	_ =	shalt  }
0x5d: {  	_ =	shalt  }
0x5e: {  	_ =	shalt  }
0x5f: {  	_ =	shalt  }
0x60: {  	_ =	shalt  }
0x61: {  	_ =	shalt  }
0x62: {  	_ =	shalt  }
0x63: {  	_ =	shalt  }
0x64: {  	_ =	shalt  }
0x65: {  	_ =	shalt  }
0x66: {  	_ =	shalt  }
0x67: {  	_ =	shalt  }
0x68: {  	_ =	shalt  }
0x69: {  	_ =	shalt  }
0x6a: {  	_ =	shalt  }
0x6b: {  	_ =	shalt  }
0x6c: {  	_ =	shalt  }
0x6d: {  	_ =	shalt  }
0x6e: {  	_ =	shalt  }
0x6f: {  	_ =	shalt  }
0x70: {  	_ =	shalt  }
0x71: {  	_ =	shalt  }
0x72: {  	_ =	shalt  }
0x73: {  	_ =	shalt  }
0x74: {  	_ =	shalt  }
0x75: {  	_ =	shalt  }
0x76: {  	_ =	shalt  }
0x77: {  	_ =	shalt  }
0x78: {  	_ =	shalt  }
0x79: {  	_ =	shalt  }
0x7a: {  	_ =	shalt  }
0x7b: {  	_ =	shalt  }
0x7c: {  	_ =	shalt  }
0x7d: {  	_ =	shalt  }
0x7e: {  	_ =	shalt  }
0x7f: {  	_ =	shalt  }
0x80: {  	_ =	shalt  }
0x81: {  	_ =	shalt  }
0x82: {  	_ =	shalt  }
0x83: {  	_ =	shalt  }
0x84: {  	_ =	shalt  }
0x85: {  	_ =	shalt  }
0x86: {  	_ =	shalt  }
0x87: {  	_ =	shalt  }
.Lfunc_end0:
.L_simem_size_0:
called_computation_lowered:
.L_overlay_start_0:
0x88: {  	s2 =	sld [smem:$0x3FD9]  }
0x89: {  	s3 =	sld [smem:$0x3FFE];
	_ =	sdelay $0x1  }
0x8a: {  	s1 =	srdreg.scid  }
0x8b: {  	s0 =	sand.u32 $0x1, s1  }
0x8c: {  	s16 =	sshll.u32 s0, $0xA;
	s2 =	sadd.s32 s3, s2  }
0x8d: {  	s2 =	sadd.s32 s2, s16  }
0x8e: {  	[smem:$0x3FC3] =	sst s2  }
0x8f: {  	_ = 	snop  }
0x90: {  	(tm) =	ssettm $0x1  }
0x91: {  	s17 =	sld [smem:$0x3FFB];
	_ =	sdelay $0x3  }
0x92: {  	_ =	strace s17  }
0x93: {  	s2 =	sld [smem:$0x3FFC];
	_ =	sdelay $0x3  }
0x94: {  	_ =	strace s2  }
0x95: {  	s2 =	sld [smem:$0x3FFD];
	_ =	sdelay $0x3  }
0x96: {  	_ =	strace s2  }
0x97: {  	_ =	strace $0x8FFFFFFF  }
0x98: {  	s18 =	sld [smem:$0x3FDB];
	_ =	sdelay $0x1  }
0x99: {  	s19 =	simm.s32 $_scs_section_size  }
0x9a: {  	s4 =	simm.s32 $_size__tile_overlayer_lowered;
	s5 =	simm.s32 $_tile_overlayer_lowered  }
0x9b: {  	s22 =	simm.s32 $0x1BFF;
	s21 =	sshll.u32 s5, $0x1;
	s2 =	sadd.s32 s19, s18  }
0x9c: {  	s6 =	simm.s32 $0x0;
	s20 =	sshll.u32 s4, $0x1;
	s4 =	sadd.s32 s21, s2  }
0x9d: {  	[timem:s6], [sflag:s22] =	dma.local [hbm:s4], s20  }
0x9e: {  	_ =	swait.ge [sflag:s22], s20  }
0x9f: {  	s3 =	ssub.s32 $0x0, s20;
	[sflag:s22] =	ssyncset.done $0x0  }
0xa0: {  	[sflag:s22] =	ssyncadd.s32 s3;
	_ =	sdelay $0x1  }
0xa1: {  	s23 =	simm.s32 $0x1B8B  }
0xa2: {  	_ =	swait.ge [sflag:s23], $0x1  }
0xa3: {  	[sflag:s23] =	ssyncset.done $0x0  }
0xa4: {  	s25 =	simm.s32 $0x1B8E;
	s24 =	sld [smem:$0x3FFE];
	[sflag:s23] =	ssyncadd.s32 $0xFFFFFFFF  }
0xa5: {  	s26 =	simm.s32 $execute0_lowered;
	[smem:$0x3FD2] =	sst s25  }
0xa6: {  	s4 =	sshll.u32 s26, $0x1;
	_ =	strace $0x80000046;
	[dreg:$0x1] =	wrdreg $0xFFFFFFFF  }
0xa7: {  	s28 =	simm.s32 $_size_execute0_lowered;
	s2 =	sadd.s32 s2, s4;
	[dreg:$0x0] =	wrdreg $0x0  }
0xa8: {  	s4 =	sshll.u32 s28, $0x1;
	[dreg:$0x2] =	wrdreg s2  }
0xa9: {  	[dreg:$0x3] =	wrdreg s4  }
0xaa: {  	[dreg:$0x4] =	wrdreg $0xC0  }
0xab: {  	_ =	task [dreg:s6], $0x5FFFF  }
0xac: {  	[dreg:$0x1] =	wrdreg $0xFFFFFFFF  }
0xad: {  	[dreg:$0x0] =	wrdreg $0x60  }
0xae: {  	[dreg:$0x2] =	wrdreg s24  }
0xaf: {  	[dreg:$0x3] =	wrdreg $0x9  }
0xb0: {  	_ =	task.clear_ibuf [dreg:s6], $0x4FFFF;
	_ =	strace $0x90000046  }
0xb1: {  	s29 =	simm.s32 $0x9;
	_ =	strace $0x80000048  }
0xb2: {  	_ =	swait.ge [sflag:s29], $0x1  }
0xb3: {  	[sflag:s29] =	ssyncadd.s32 $0xFFFFFFFF  }
0xb4: {  	_ =	strace $0x90000048  }
0xb5: {  	_ =	sfence  }
0xb6: {  	s30 =	sld [smem:$0x0];
	_ =	sdelay $0x2  }
0xb7: {  	s31 =	sshll.u32 s1, $0xD;
	s1 =	sshrl.u32 s1, $0x2  }
0xb8: {  	s3 =	sand.u32 $0x4000, s31;
	s1 =	sadd.s32 s1, s30  }
0xb9: {  	s0 =	sor.u32 s3, s0;
	s1 =	sshll.u32 s1, $0x11  }
0xba: {  	s0 =	sor.u32 s1, s0  }
0xbb: {  	s0 =	sadd.s32 $0x8F2B, s0  }
0xbc: {  	[sflag:s0] =	ssyncadd.remote.s32 $0x1  }
0xbd: {  	_ =	sfence.sel $0xFFFF  }
0xbe: {  	[dreg:$0x0] =	wrdreg $0xFFFFFFFF;
	(pc) =	sbr.abs _section_cstart, $3  }
0xbf: {  	[dreg:$0x1] =	wrdreg $0xFFFFFFFF  }
0xc0: {  	_ =	task.clear_ibuf [dreg:s6], $0x2FFFF;
	_ =	strace $0x9FFFFFFF  }
0xc1: {  	(tm) =	ssettm $0x7FFFFFFF  }
tec
execute0_lowered:
.L_overlay_start_1:
0x0: {  	(tag) =	ssettag $0x1  }
0x1: {  	s0 =	srdreg.scid  }
0x2: {  	s5 =	rddreg [dreg:$0x0];
	s3 =	sand.u32 $0x1, s0  }
0x3: {  	s2 =	simm.s32 $0x0;
	s0 =	stileid.u32;
	s1 =	sshll.u32 s3, $0x4  }
0x4: {  	s8 =	simm.s32 $0x80;
	s9 =	simm.s32 $0x400;
	s4 =	sor.u32 s0, s1  }
0x5: {  	s10 =	simm.s32 $0x0;
	[smem:$0x7FF] =	sst s2;
	s1 =	sshrl.u32 s4, $0x3  }
0x6: {  	s7 =	sshll.u32 s0, $0x7;
	s3 =	ssub.s32 $0x2, s3;
	s6 =	smul.u32 $0x14000, s1  }
0x7: {  	s7 =	sand.u32 $0x380, s7;
	s31 =	sshrl.u32 s3, $0x1;
	s4 =	smul.u32 $0x4E2, s4  }
0x8: {  	s1 =	rddreg [dreg:$0x1];
	_ =	strace $0x80000047;
	s6 =	sor.u32 s7, s6  }
0x9: {  	s4 =	sadd.s32 s4, s5;
	s7 =	simm.s32 $0x2780;
	s6 =	sshrl.u32 s6, $0x3  }
0xa: {  	s5 =	sadd.s32 s6, s5;
	s6 =	ssub.s32 s3, s31;
	s3 =	sadd.s32 $0x1800, s4  }
0xb: {  	v0 =	vimm.s32 $0x0;
	v1 =	vimm.s32 $0x1;
	s4 =	sadd.s32 $0xB600, s5;
	s5 =	smax.u32 s6, $0x1;
	s6 =	simm.s32 $0x1  }
.LBB2_1:
0xc: {  	[tilespmem:s2], [sflag:$0x1] =	stream.linear.gather [hbm4b:s3+s2], $0x2710, $0x38;
	[tilespmem:$0x4F80] =	vst v63  }
0xd: {  	_ =	swait.ge [sflag:s6], $0x2710  }
0xe: {  	[sflag:s6] =	ssyncset.done $0x0  }
0xf: {  	s11 =	simm.s32 $0x0;
	[sflag:s6] =	ssyncadd.s32 $0xFFFFD8F0  }
.LBB2_2:
0x10: {  	p0 =	sne.s32 s11, $0x9FC0  }
.Ltmp0:
0x11: {  	_ = 	snop;
	(pc) =	sbr.rel @p0 .LBB2_2-.Ltmp0, $3  }
0x12: {  	_ =	sdelay $0x1  }
0x13: {  	s12 =	sshra.s32 s11, $0x2  }
0x14: {  	s11 =	sadd.s32 $0x40, s11;
	[tilespmem:s12+$0x2780] =	vst v0  }
0x15: {  	s12 =	simm.s32 $0x0;
	s11 =	simm.s32 $0x40  }
.LBB2_4:
0x16: {  	p0 =	sne.s32 s11, $0x9C00;
	v2 =	vld [tilespmem:s12+$0x0];
	_ =	sdelay $0x3  }
.Ltmp1:
0x17: {  	(pc) =	sbr.rel @p0 .LBB2_4-.Ltmp1, $2  }
0x18: {  	_ =	sdelay $0x2  }
0x19: {  	s12 =	sshra.s32 s11, $0x2;
	s11 =	sadd.s32 $0x40, s11;
	[tilespmem:v2+s7+$0x0] =	vst.idx.add.s32.msk $0xffff, v1  }
0x1a: {  	v2 =	vld [tilespmem:s12+$0x0];
	_ =	sdelay $0x5  }
0x1b: {  	s10 =	sadd.s32 $0x1, s10  }
0x1c: {  	p0 =	sne.s32 s10, s5  }
.Ltmp2:
0x1d: {  	[tilespmem:v2+s7+$0x0] =	vst.idx.add.s32.msk $0xffff, v1;
	(pc) =	sbr.rel @p0 .LBB2_1-.Ltmp2, $4  }
0x1e: {  	[hbm4b:s4+s8] =	stream.strided.scatter [tilespmem:s7], [sflag:$0x1], $0x2800, s9, s8, $0x38;
	[tilespmem:$0x4F80] =	vst v63  }
0x1f: {  	_ =	swait.ge [sflag:s6], $0x2800  }
0x20: {  	[sflag:s6] =	ssyncset.done $0x0  }
0x21: {  	[sflag:s6] =	ssyncadd.s32 $0xFFFFD800  }
0x22: {  	_ =	sfence.sel $0x180000  }
0x23: {  	[bflag:$0x0] =	sbarrier.arrive $0xFFFF  }
0x24: {  	p0 =	sne.s32 s0, $0x0;
	_ =	strace $0x90000047  }
0x25: {  	s0 =	sadd.s32 @!p0 $0x100000, s1;
	[bflag:$0x2] =	sbarrier.arrive $0xFFFF  }
0x26: {  	[sflag:s0] =	ssyncadd.tile.s32 @!p0 $0x1;
	_ =	shalt  }
.Lfunc_end2:
_tile_overlayer_lowered:
.L_overlay_start_2:
0x27: {  	(tag) =	ssettag $0x2  }
0x28: {  	s0 =	rddreg [dreg:$0x0];
	s2 =	stileid.u32  }
0x29: {  	s1 =	rddreg [dreg:$0x1];
	p0 =	sne.s32 s2, $0x0  }
0x2a: {  	s3 =	rddreg [dreg:$0x2];
	[bflag:$0x3] =	sbarrier.arrive $0xFFFF;
	s2 =	simm.s32 @!p0 $0x1C01  }
0x2b: {  	[timem:s3], [sflag:s2] =	dma.local @!p0 [hbm:s0], s1  }
0x2c: {  	s0 =	simm.s32 @!p0 $0x1  }
0x2d: {  	_ =	swait.ge @!p0 [sflag:s0], s1  }
0x2e: {  	s1 =	ssub.s32 @!p0 $0x0, s1;
	[sflag:s0] =	ssyncset.done @!p0 $0x0  }
0x2f: {  	[sflag:s0] =	ssyncadd.s32 @!p0 s1  }
0x30: {  	[bflag:$0x3] =	sbarrier.arrive $0xFFFF  }
0x31: {  	_ =	shalt  }

// kernel: kernel.9.cloned.1.call-start
scs
__scs_entry_jumppad:
0x0: {  	(pc) =	sbr.rel $0x88, $3  }
0x1: {  	(tag) =	ssettag $0x0;
	lr =	simm.s32 $0x1  }
0x2: {  	[smem:$0x3F9C] =	sst lr;
	_ =	strace $0xD0000000  }
0x3: {  	_ = 	snop  }
0x4: {  	_ = 	snop  }
0x5: {  	_ = 	snop  }
0x6: {  	_ = 	snop  }
0x7: {  	_ = 	snop  }
__scs_overlays_trampoline_lowered:
0x8: {  	[smem:$0x3FAB] =	sst s0  }
0x9: {  	[smem:$0x3FAC] =	sst s1  }
0xa: {  	[smem:$0x3FAD] =	sst s2  }
0xb: {  	[smem:$0x3FAE] =	sst s3  }
0xc: {  	[smem:$0x3FAF] =	sst s4  }
0xd: {  	[smem:$0x3FB0] =	sst s5  }
0xe: {  	[smem:$0x3FB1] =	sst s6  }
0xf: {  	[smem:$0x3FB2] =	sst s7  }
0x10: {  	[smem:$0x3FB3] =	sst s8  }
0x11: {  	[smem:$0x3FB4] =	sst s9;
	s0 =	simm.s32 @!p0 $0x0  }
0x12: {  	s1 =	sld [smem:$0x3F9A];
	s0 =	simm.s32 @p0 $0x1  }
0x13: {  	[smem:$0x3FB5] =	sst s0;
	s0 =	simm.s32 @!p1 $0x0  }
0x14: {  	s2 =	sld [smem:$0x3F99];
	s0 =	simm.s32 @p1 $0x1  }
0x15: {  	[smem:$0x3FB6] =	sst s0;
	s0 =	simm.s32 @!p2 $0x0  }
0x16: {  	s3 =	sld [smem:$0x3FDB];
	s0 =	simm.s32 @p2 $0x1  }
0x17: {  	s4 =	simm.s32 $0x1BF5;
	[smem:$0x3FB8] =	sst s0  }
0x18: {  	s0 =	sld [smem:$0x3F9B];
	_ =	swait.ge [sflag:s4], $0x0  }
0x19: {  	s7 =	sld [smem:$0x3F9C]  }
0x1a: {  	s8 =	sadd.s32 $0xFFFFE003, lr  }
0x1b: {  	s9 =	sadd.s32 $0xFFFFFEF7, lr;
	s5 =	simm.s32 $0xFFFFFFFF;
	p2 =	slt.u32 s8, $0xFFFFF086  }
0x1c: {  	p1 =	slt.u32 s9, $0xF7A;
	s5 =	simm.s32 @!p2 $0x0  }
0x1d: {  	s5 =	simm.s32 @p1 $0x1;
	p0 =	seq.s32 s7, s2  }
0x1e: {  	s7 =	smul.u32 @!p0 $0xF7A, s2;
	p2 =	seq.s32 @!p0 s5, $0x0  }
0x1f: {  	s9 =	smul.u32 $0xF7A, s1;
	s8 =	simm.s32 @!p0 $0x1BF5;
	p2 =	por !p2, p0  }
0x20: {  	[sflag:s8] =	ssyncset.s32 @!p0 $0xFFFFF086;
	s6 =	sadd.s32 @!p0 s3, s7;
	s7 =	simm.s32 @!p0 $0x108  }
0x21: {  	s3 =	sadd.s32 s3, s9;
	s6 =	sadd.s32 @!p0 $0x88, s6;
	s7 =	simm.s32 @p2 $0x1082  }
0x22: {  	[simem:s7], [sflag:s8] =	dma.local @!p0 [hbm:s6], $0xF7A  }
0x23: {  	s9 =	sor.u32 $0xD0000000, s2;
	s6 =	simm.s32 $0x108;
	_ =	swait.ge @!p0 [sflag:s8], $0x0  }
0x24: {  	s3 =	sadd.s32 $0x88, s3;
	s6 =	simm.s32 @!p1 $0x1082;
	[sflag:s4] =	ssyncset.s32 $0xFFFFF086  }
0x25: {  	[simem:s6], [sflag:s4] =	dma.local [hbm:s3], $0xF7A  }
0x26: {  	[smem:$0x3F9C] =	sst s1;
	(tag) =	ssettag s2;
	_ =	strace s9  }
0x27: {  	s1 =	sld [smem:$0x3FAC]  }
0x28: {  	s2 =	sld [smem:$0x3FAD]  }
0x29: {  	s4 =	sld [smem:$0x3FAF]  }
0x2a: {  	p0 =	seq.s32 s5, $0x0;
	s5 =	sld [smem:$0x3FB0]  }
0x2b: {  	s6 =	sld [smem:$0x3FB1]  }
0x2c: {  	s7 =	sld [smem:$0x3FB2]  }
0x2d: {  	s3 =	simm.s32 $0x108;
	s8 =	sld [smem:$0x3FB3]  }
0x2e: {  	s3 =	simm.s32 @!p0 $0x1082;
	s9 =	sld [smem:$0x3FB4]  }
0x2f: {  	lr =	sadd.s32 s0, s3;
	s0 =	sld [smem:$0x3FAB]  }
0x30: {  	s3 =	sld [smem:$0x3FAE]  }
0x31: {  	[smem:$0x3FB7] =	sst s10  }
0x32: {  	s10 =	sld [smem:$0x3FB5];
	_ =	sdelay $0x3  }
0x33: {  	p0 =	seq.s32 s10, $0x1;
	s10 =	sld [smem:$0x3FB7];
	_ =	sdelay $0x3  }
0x34: {  	[smem:$0x3FB7] =	sst s10  }
0x35: {  	s10 =	sld [smem:$0x3FB6];
	_ =	sdelay $0x3  }
0x36: {  	p1 =	seq.s32 s10, $0x1;
	s10 =	sld [smem:$0x3FB7];
	_ =	sdelay $0x3  }
0x37: {  	[smem:$0x3FB7] =	sst s10  }
0x38: {  	s10 =	sld [smem:$0x3FB8]  }
0x39: {  	_ = 	snop;
	(pc) =	sbr.ind lr, $3  }
0x3a: {  	_ = 	snop  }
0x3b: {  	_ = 	snop  }
0x3c: {  	p2 =	seq.s32 s10, $0x1;
	s10 =	sld [smem:$0x3FB7]  }
0x3d: {  	_ =	shalt  }
0x3e: {  	_ =	shalt  }
0x3f: {  	_ =	shalt  }
0x40: {  	_ =	shalt  }
0x41: {  	_ =	shalt  }
0x42: {  	_ =	shalt  }
0x43: {  	_ =	shalt  }
0x44: {  	_ =	shalt  }
0x45: {  	_ =	shalt  }
0x46: {  	_ =	shalt  }
0x47: {  	_ =	shalt  }
0x48: {  	_ =	shalt  }
0x49: {  	_ =	shalt  }
0x4a: {  	_ =	shalt  }
0x4b: {  	_ =	shalt  }
0x4c: {  	_ =	shalt  }
0x4d: {  	_ =	shalt  }
0x4e: {  	_ =	shalt  }
0x4f: {  	_ =	shalt  }
0x50: {  	_ =	shalt  }
0x51: {  	_ =	shalt  }
0x52: {  	_ =	shalt  }
0x53: {  	_ =	shalt  }
0x54: {  	_ =	shalt  }
0x55: {  	_ =	shalt  }
0x56: {  	_ =	shalt  }
0x57: {  	_ =	shalt  }
0x58: {  	_ =	shalt  }
0x59: {  	_ =	shalt  }
0x5a: {  	_ =	shalt  }
0x5b: {  	_ =	shalt  }
0x5c: {  	_ =	shalt  }
0x5d: {  	_ =	shalt  }
0x5e: {  	_ =	shalt  }
0x5f: {  	_ =	shalt  }
0x60: {  	_ =	shalt  }
0x61: {  	_ =	shalt  }
0x62: {  	_ =	shalt  }
0x63: {  	_ =	shalt  }
0x64: {  	_ =	shalt  }
0x65: {  	_ =	shalt  }
0x66: {  	_ =	shalt  }
0x67: {  	_ =	shalt  }
0x68: {  	_ =	shalt  }
0x69: {  	_ =	shalt  }
0x6a: {  	_ =	shalt  }
0x6b: {  	_ =	shalt  }
0x6c: {  	_ =	shalt  }
0x6d: {  	_ =	shalt  }
0x6e: {  	_ =	shalt  }
0x6f: {  	_ =	shalt  }
0x70: {  	_ =	shalt  }
0x71: {  	_ =	shalt  }
0x72: {  	_ =	shalt  }
0x73: {  	_ =	shalt  }
0x74: {  	_ =	shalt  }
0x75: {  	_ =	shalt  }
0x76: {  	_ =	shalt  }
0x77: {  	_ =	shalt  }
0x78: {  	_ =	shalt  }
0x79: {  	_ =	shalt  }
0x7a: {  	_ =	shalt  }
0x7b: {  	_ =	shalt  }
0x7c: {  	_ =	shalt  }
0x7d: {  	_ =	shalt  }
0x7e: {  	_ =	shalt  }
0x7f: {  	_ =	shalt  }
0x80: {  	_ =	shalt  }
0x81: {  	_ =	shalt  }
0x82: {  	_ =	shalt  }
0x83: {  	_ =	shalt  }
0x84: {  	_ =	shalt  }
0x85: {  	_ =	shalt  }
0x86: {  	_ =	shalt  }
0x87: {  	_ =	shalt  }
.Lfunc_end0:
.L_simem_size_0:
called_computation.1_lowered:
.L_overlay_start_0:
0x88: {  	s2 =	sld [smem:$0x3FD9]  }
0x89: {  	s3 =	sld [smem:$0x3FFE];
	_ =	sdelay $0x1  }
0x8a: {  	s1 =	srdreg.scid  }
0x8b: {  	s0 =	sand.u32 $0x1, s1  }
0x8c: {  	s17 =	sshll.u32 s0, $0xA;
	s2 =	sadd.s32 s3, s2  }
0x8d: {  	s2 =	sadd.s32 s2, s17  }
0x8e: {  	[smem:$0x3FC3] =	sst s2  }
0x8f: {  	_ = 	snop  }
0x90: {  	s2 =	sld [smem:$0x3FD0];
	(tm) =	ssettm $0x1  }
0x91: {  	s18 =	sld [smem:$0x3FFB];
	_ =	sdelay $0x3  }
0x92: {  	_ =	strace s18  }
0x93: {  	s3 =	sld [smem:$0x3FFC];
	_ =	sdelay $0x3  }
0x94: {  	_ =	strace s3  }
0x95: {  	s3 =	sld [smem:$0x3FFD];
	_ =	sdelay $0x3  }
0x96: {  	_ =	strace s3  }
0x97: {  	_ =	strace $0x8FFFFFFF  }
0x98: {  	s19 =	sld [smem:$0x3FDB];
	_ =	sdelay $0x1  }
0x99: {  	s4 =	simm.s32 $_scs_section_size  }
0x9a: {  	s5 =	simm.s32 $_size__tile_overlayer_lowered;
	s6 =	simm.s32 $_tile_overlayer_lowered  }
0x9b: {  	s22 =	simm.s32 $0x1BFF;
	s21 =	sshll.u32 s6, $0x1;
	s3 =	sadd.s32 s4, s19  }
0x9c: {  	s7 =	simm.s32 $0x0;
	s20 =	sshll.u32 s5, $0x1;
	s5 =	sadd.s32 s21, s3  }
0x9d: {  	[timem:s7], [sflag:s22] =	dma.local [hbm:s5], s20  }
0x9e: {  	_ =	swait.ge [sflag:s22], s20  }
0x9f: {  	s4 =	ssub.s32 $0x0, s20;
	[sflag:s22] =	ssyncset.done $0x0  }
0xa0: {  	[sflag:s22] =	ssyncadd.s32 s4;
	_ =	sdelay $0x1  }
0xa1: {  	s23 =	simm.s32 $0x1B8B  }
0xa2: {  	_ =	swait.ge [sflag:s23], $0x1  }
0xa3: {  	[sflag:s23] =	ssyncset.done $0x0  }
0xa4: {  	s25 =	simm.s32 $0x1B8E;
	s24 =	sld [smem:$0x3FFE];
	[sflag:s23] =	ssyncadd.s32 $0xFFFFFFFF  }
0xa5: {  	s26 =	simm.s32 $execute0_lowered;
	[smem:$0x3FD2] =	sst s25  }
0xa6: {  	s5 =	sshll.u32 s26, $0x1;
	_ =	strace $0x80000049;
	[dreg:$0x1] =	wrdreg $0xFFFFFFFF  }
0xa7: {  	s28 =	simm.s32 $_size_execute0_lowered;
	s3 =	sadd.s32 s3, s5;
	[dreg:$0x0] =	wrdreg $0x0  }
0xa8: {  	s5 =	sshll.u32 s28, $0x1;
	[dreg:$0x2] =	wrdreg s3  }
0xa9: {  	[dreg:$0x3] =	wrdreg s5  }
0xaa: {  	[dreg:$0x4] =	wrdreg $0xC0  }
0xab: {  	_ =	task [dreg:s7], $0x5FFFF  }
0xac: {  	[dreg:$0x1] =	wrdreg $0xFFFFFFFF  }
0xad: {  	[dreg:$0x0] =	wrdreg $0x60  }
0xae: {  	[dreg:$0x2] =	wrdreg s24  }
0xaf: {  	[dreg:$0x3] =	wrdreg s2  }
0xb0: {  	[dreg:$0x4] =	wrdreg $0xB0000  }
0xb1: {  	[dreg:$0x5] =	wrdreg $0x9  }
0xb2: {  	_ =	task.clear_ibuf [dreg:s7], $0x6FFFF;
	_ =	strace $0x90000049  }
0xb3: {  	s29 =	simm.s32 $0x9;
	_ =	strace $0x8000004B  }
0xb4: {  	_ =	swait.ge [sflag:s29], $0x1  }
0xb5: {  	[sflag:s29] =	ssyncadd.s32 $0xFFFFFFFF  }
0xb6: {  	_ =	strace $0x9000004B  }
0xb7: {  	_ =	sfence  }
0xb8: {  	s30 =	sld [smem:$0x0];
	_ =	sdelay $0x2  }
0xb9: {  	s31 =	sshll.u32 s1, $0xD;
	s1 =	sshrl.u32 s1, $0x2  }
0xba: {  	s3 =	sand.u32 $0x4000, s31;
	s1 =	sadd.s32 s1, s30  }
0xbb: {  	s0 =	sor.u32 s3, s0;
	s1 =	sshll.u32 s1, $0x11  }
0xbc: {  	s0 =	sor.u32 s1, s0  }
0xbd: {  	s0 =	sadd.s32 $0x8F2B, s0  }
0xbe: {  	[sflag:s0] =	ssyncadd.remote.s32 $0x1  }
0xbf: {  	_ =	sfence.sel $0xFFFF  }
0xc0: {  	[dreg:$0x0] =	wrdreg $0xFFFFFFFF;
	(pc) =	sbr.abs _section_cstart, $3  }
0xc1: {  	[dreg:$0x1] =	wrdreg $0xFFFFFFFF  }
0xc2: {  	_ =	task.clear_ibuf [dreg:s7], $0x2FFFF;
	_ =	strace $0x9FFFFFFF  }
0xc3: {  	(tm) =	ssettm $0x7FFFFFFF  }
tec
execute0_lowered:
.L_overlay_start_1:
0x0: {  	(tag) =	ssettag $0x1  }
0x1: {  	s0 =	rddreg [dreg:$0x0]  }
0x2: {  	s2 =	rddreg [dreg:$0x1]  }
0x3: {  	s1 =	rddreg [dreg:$0x2]  }
0x4: {  	s3 =	simm.s32 $0x0;
	s23 =	srdreg.scid;
	s9 =	stileid.u32  }
0x5: {  	s28 =	simm.s32 $0x7;
	s29 =	simm.s32 $0x2800;
	s30 =	simm.s32 $0x40  }
0x6: {  	[smem:$0x7FF] =	sst s3;
	s4 =	sadd.s32 $0x29600, s0;
	s3 =	sand.u32 $0x1, s23  }
0x7: {  	s6 =	sadd.s32 $0x15600, s0;
	s7 =	smul.u32 $0x50000, s9;
	s0 =	sadd.s32 $0x51600, s0  }
0x8: {  	s10 =	smul.u32 $0x14000, s9;
	_ =	strace $0x8000004A;
	s5 =	ssub.s32 $0x2, s3  }
0x9: {  	s24 =	sshll.u32 s3, $0x4;
	s3 =	smul.u32 $0x140000, s3;
	s8 =	sshrl.u32 s5, $0x1  }
0xa: {  	s7 =	sshrl.u32 s7, $0x2;
	s9 =	sor.u32 s9, s24;
	s12 =	sadd.s32 $0x4000, s10  }
0xb: {  	s13 =	sadd.s32 $0x8000, s10;
	s14 =	sadd.s32 $0xC000, s10;
	s26 =	sadd.s32 $0x10000, s10  }
0xc: {  	s8 =	ssub.s32 s5, s8;
	s5 =	sadd.s32 s7, s1;
	s15 =	smul.u32 $0x5000, s9  }
0xd: {  	s9 =	sadd.s32 s13, s1;
	s19 =	sadd.s32 s10, s3;
	s20 =	sadd.s32 s3, s12  }
0xe: {  	s21 =	sadd.s32 s3, s13;
	s22 =	sadd.s32 s3, s14;
	s3 =	sadd.s32 s3, s26  }
0xf: {  	s10 =	simm.s32 $0x3;
	s13 =	simm.s32 $0x6;
	s7 =	sadd.s32 $0x2000, s5  }
0x10: {  	s11 =	sadd.s32 $0x6000, s5;
	s25 =	sadd.s32 $0xA000, s5;
	[dreg:$0x4] =	wrdreg s7  }
0x11: {  	s16 =	sadd.s32 $0xE000, s5;
	s23 =	sadd.s32 $0x12000, s5;
	[dreg:$0x5] =	wrdreg s11  }
0x12: {  	s3 =	sshrl.u32 s3, $0x3;
	s7 =	sadd.s32 s12, s1;
	[dreg:$0x6] =	wrdreg s25  }
0x13: {  	s11 =	sadd.s32 s14, s1;
	[dreg:$0x7] =	wrdreg s16;
	s15 =	sshrl.u32 s15, $0x3  }
0x14: {  	[dreg:$0xc] =	wrdreg s23;
	s25 =	sshrl.u32 s21, $0x3;
	s12 =	simm.s32 $0x5  }
0x15: {  	s14 =	simm.s32 $0x4E00;
	s16 =	simm.s32 $0x4E80;
	s17 =	sadd.s32 s2, s15  }
0x16: {  	s31 =	sadd.s32 $0x500, s15;
	s15 =	sadd.s32 s6, s15;
	[dreg:$0x8] =	wrdreg s17  }
0x17: {  	s21 =	simm.s32 $0x0;
	[dreg:$0x9] =	wrdreg s15;
	s2 =	sadd.s32 s2, s31  }
0x18: {  	s18 =	sadd.s32 s6, s31;
	s17 =	sadd.s32 s26, s1;
	s6 =	sshrl.u32 s20, $0x3  }
0x19: {  	s26 =	sshrl.u32 s22, $0x3;
	s31 =	smax.u32 s8, $0x1;
	s8 =	simm.s32 $0x4  }
0x1a: {  	s15 =	simm.s32 $0x2700;
	s20 =	simm.s32 $0x4F80;
	[dreg:$0xa] =	wrdreg s2  }
0x1b: {  	[dreg:$0xb] =	wrdreg s18;
	s2 =	sshrl.u32 s19, $0x3;
	s24 =	sadd.s32 s0, s6  }
0x1c: {  	[dreg:$0x12] =	wrdreg s31;
	s6 =	simm.s32 $0x2;
	s18 =	simm.s32 $0x2780  }
0x1d: {  	s19 =	simm.s32 $0x4F00;
	s2 =	sadd.s32 s0, s2;
	[dreg:$0xe] =	wrdreg s24  }
0x1e: {  	[dreg:$0xd] =	wrdreg s2;
	s2 =	sadd.s32 s0, s25;
	s25 =	simm.s32 $0x5000  }
0x1f: {  	[dreg:$0xf] =	wrdreg s2;
	s2 =	sadd.s32 s0, s26;
	s0 =	sadd.s32 s0, s3  }
0x20: {  	s26 =	simm.s32 $0x1;
	s3 =	simm.s32 $0x100;
	[dreg:$0x10] =	wrdreg s2  }
0x21: {  	v0 =	vimm.f32 $0.0e+00;
	[dreg:$0x11] =	wrdreg s0;
	s0 =	simm.s32 $0x7000;
	s2 =	simm.s32 $0x9000  }
.LBB2_1:
0x22: {  	s23 =	simm.s32 $0x0  }
0x23: {  	s22 =	sand.u32 $0x7E00, s23  }
0x24: {  	s23 =	sand.u32 $0x70, s23;
	s31 =	sshrl.u32 s22, $0x2  }
0x25: {  	s22 =	simm.s32 $0x40;
	s31 =	sor.u32 s23, s31;
	s23 =	simm.s32 $0x0  }
.LBB2_2:
0x26: {  	p0 =	sne.s32 s22, $0x7FC0  }
0x27: {  	[tilespmem:s31+$0x5000] =	vst v0;
	s23 =	sadd.s32 $0x10, s23;
	s31 =	smov.u32 s22;
	s22 =	sadd.s32 $0x40, s22  }
.Ltmp0:
0x28: {  	(pc) =	sbr.rel @p0 .LBB2_2-.Ltmp0, $4  }
0x29: {  	_ = 	snop  }
0x2a: {  	s31 =	sand.u32 $0x7E00, s31  }
0x2b: {  	s24 =	sand.u32 $0x70, s23;
	s31 =	sshrl.u32 s31, $0x2  }
0x2c: {  	s31 =	sor.u32 s24, s31  }
0x2d: {  	[tilespmem:s31+$0x5000] =	vst v0  }
0x2e: {  	[spmem:s5] =	stream.linear.scatter [tilespmem:s25], [sflag:$0x1], $0x2000, $0x38;
	[tilespmem:$0x1F000] =	vst v63  }
0x2f: {  	s22 =	rddreg [dreg:$0x4]  }
0x30: {  	[spmem:s22] =	stream.linear.scatter [tilespmem:s25], [sflag:$0x1], $0x2000, $0x38;
	[tilespmem:$0x1F000] =	vst v63  }
0x31: {  	_ = 	snop  }
0x32: {  	[spmem:s7] =	stream.linear.scatter [tilespmem:s25], [sflag:$0x1], $0x2000, $0x38;
	[tilespmem:$0x1F000] =	vst v63  }
0x33: {  	s24 =	rddreg [dreg:$0x5]  }
0x34: {  	[spmem:s24] =	stream.linear.scatter [tilespmem:s25], [sflag:$0x1], $0x2000, $0x38;
	[tilespmem:$0x1F000] =	vst v63  }
0x35: {  	_ = 	snop  }
0x36: {  	[spmem:s9] =	stream.linear.scatter [tilespmem:s25], [sflag:$0x1], $0x2000, $0x38;
	[tilespmem:$0x1F000] =	vst v63  }
0x37: {  	s23 =	rddreg [dreg:$0x6]  }
0x38: {  	[spmem:s23] =	stream.linear.scatter [tilespmem:s25], [sflag:$0x1], $0x2000, $0x38;
	[tilespmem:$0x1F000] =	vst v63  }
0x39: {  	_ = 	snop  }
0x3a: {  	[spmem:s11] =	stream.linear.scatter [tilespmem:s25], [sflag:$0x1], $0x2000, $0x38;
	[tilespmem:$0x1F000] =	vst v63  }
0x3b: {  	s24 =	rddreg [dreg:$0x7]  }
0x3c: {  	[spmem:s24] =	stream.linear.scatter [tilespmem:s25], [sflag:$0x1], $0x2000, $0x38;
	[tilespmem:$0x1F000] =	vst v63  }
0x3d: {  	_ = 	snop  }
0x3e: {  	[spmem:s17] =	stream.linear.scatter [tilespmem:s25], [sflag:$0x1], $0x2000, $0x38;
	[tilespmem:$0x1F000] =	vst v63  }
0x3f: {  	s23 =	rddreg [dreg:$0xc]  }
0x40: {  	[spmem:s23] =	stream.linear.scatter [tilespmem:s25], [sflag:$0x1], $0x2000, $0x38;
	[tilespmem:$0x1F000] =	vst v63  }
0x41: {  	_ =	swait.ge [sflag:s26], $0x2000  }
0x42: {  	[sflag:s26] =	ssyncset.done $0x0  }
0x43: {  	[sflag:s26] =	ssyncadd.s32 $0xFFFFE000  }
0x44: {  	_ =	swait.ge [sflag:s26], $0x2000  }
0x45: {  	[sflag:s26] =	ssyncset.done $0x0  }
0x46: {  	[sflag:s26] =	ssyncadd.s32 $0xFFFFE000  }
0x47: {  	_ =	swait.ge [sflag:s26], $0x2000  }
0x48: {  	[sflag:s26] =	ssyncset.done $0x0  }
0x49: {  	[sflag:s26] =	ssyncadd.s32 $0xFFFFE000  }
0x4a: {  	_ =	swait.ge [sflag:s26], $0x2000  }
0x4b: {  	[sflag:s26] =	ssyncset.done $0x0  }
0x4c: {  	[sflag:s26] =	ssyncadd.s32 $0xFFFFE000  }
0x4d: {  	_ =	swait.ge [sflag:s26], $0x2000  }
0x4e: {  	[sflag:s26] =	ssyncset.done $0x0  }
0x4f: {  	[sflag:s26] =	ssyncadd.s32 $0xFFFFE000  }
0x50: {  	_ =	swait.ge [sflag:s26], $0x2000  }
0x51: {  	[sflag:s26] =	ssyncset.done $0x0  }
0x52: {  	[sflag:s26] =	ssyncadd.s32 $0xFFFFE000  }
0x53: {  	_ =	swait.ge [sflag:s26], $0x2000  }
0x54: {  	[sflag:s26] =	ssyncset.done $0x0  }
0x55: {  	[sflag:s26] =	ssyncadd.s32 $0xFFFFE000  }
0x56: {  	_ =	swait.ge [sflag:s26], $0x2000  }
0x57: {  	[sflag:s26] =	ssyncset.done $0x0  }
0x58: {  	[sflag:s26] =	ssyncadd.s32 $0xFFFFE000  }
0x59: {  	_ =	swait.ge [sflag:s26], $0x2000  }
0x5a: {  	[sflag:s26] =	ssyncset.done $0x0  }
0x5b: {  	[sflag:s26] =	ssyncadd.s32 $0xFFFFE000  }
0x5c: {  	_ =	swait.ge [sflag:s26], $0x2000  }
0x5d: {  	[sflag:s26] =	ssyncset.done $0x0  }
0x5e: {  	[sflag:s26] =	ssyncadd.s32 $0xFFFFE000  }
0x5f: {  	[bflag:$0x0] =	sbarrier.arrive $0xFFFF  }
0x60: {  	s22 =	simm.s32 $0x0;
	s23 =	rddreg [dreg:$0x8]  }
0x61: {  	[tilespmem:s22], [sflag:$0x7] =	stream.linear.gather [hbm4b:s23+s22], $0x2800, $0x38;
	[tilespmem:$0x1F000] =	vst v63  }
0x62: {  	_ =	swait.ge [sflag:s28], $0x2800  }
0x63: {  	[sflag:s28] =	ssyncset.done $0x0  }
0x64: {  	s24 =	rddreg [dreg:$0x9];
	[sflag:s28] =	ssyncadd.s32 $0xFFFFD800  }
0x65: {  	[tilespmem:s29], [sflag:$0x7] =	stream.linear.gather [hbm4b:s24+s22], $0x2800, $0x38;
	[tilespmem:$0x1F000] =	vst v63  }
0x66: {  	_ =	swait.ge [sflag:s28], $0x2800  }
0x67: {  	[sflag:s28] =	ssyncset.done $0x0  }
0x68: {  	[sflag:s28] =	ssyncadd.s32 $0xFFFFD800  }
0x69: {  	[tilespmem:s25], [sflag:$0x1] =	stream.indirect.gather [hbm4b:s4+s30], $0x80, s22, s30, $0xb8;
	[tilespmem:$0x1F000] =	vst v63  }
0x6a: {  	s31 =	simm.s32 $0x80  }
0x6b: {  	[tilespmem:s0], [sflag:$0x2] =	stream.indirect.gather [hbm4b:s4+s30], $0x80, s31, s30, $0xb8;
	[tilespmem:$0x1F000] =	vst v63  }
0x6c: {  	_ =	swait.ge [sflag:s26], $0x2000  }
0x6d: {  	[sflag:s26] =	ssyncset.done $0x0  }
0x6e: {  	[sflag:s26] =	ssyncadd.s32 $0xFFFFE000  }
0x6f: {  	[spmem:s1] =	stream.indirect.scatter.add.f32 [tilespmem:s25], [sflag:$0x4], $0x80, s29, s30, $0xb8;
	[tilespmem:$0x1F000] =	vst v63  }
0x70: {  	_ = 	snop  }
0x71: {  	[tilespmem:s2], [sflag:$0x3] =	stream.indirect.gather [hbm4b:s4+s30], $0x80, s3, s30, $0xb8;
	[tilespmem:$0x1F000] =	vst v63  }
0x72: {  	_ =	swait.ge [sflag:s6], $0x2000  }
0x73: {  	[sflag:s6] =	ssyncset.done $0x0  }
0x74: {  	s24 =	simm.s32 $0x2880;
	[sflag:s6] =	ssyncadd.s32 $0xFFFFE000  }
0x75: {  	[spmem:s1] =	stream.indirect.scatter.add.f32 [tilespmem:s0], [sflag:$0x5], $0x80, s24, s30, $0xb8;
	[tilespmem:$0x1F000] =	vst v63  }
0x76: {  	_ =	swait.ge [sflag:s8], $0x2000  }
0x77: {  	[sflag:s8] =	ssyncset.done $0x0  }
0x78: {  	s23 =	simm.s32 $0x180;
	[sflag:s8] =	ssyncadd.s32 $0xFFFFE000  }
0x79: {  	[tilespmem:s25], [sflag:$0x1] =	stream.indirect.gather [hbm4b:s4+s30], $0x80, s23, s30, $0xb8;
	[tilespmem:$0x1F000] =	vst v63  }
0x7a: {  	_ =	swait.ge [sflag:s10], $0x2000  }
0x7b: {  	[sflag:s10] =	ssyncset.done $0x0  }
0x7c: {  	s24 =	simm.s32 $0x2900;
	[sflag:s10] =	ssyncadd.s32 $0xFFFFE000  }
0x7d: {  	[spmem:s1] =	stream.indirect.scatter.add.f32 [tilespmem:s2], [sflag:$0x6], $0x80, s24, s30, $0xb8;
	[tilespmem:$0x1F000] =	vst v63  }
0x7e: {  	_ =	swait.ge [sflag:s12], $0x2000  }
0x7f: {  	[sflag:s12] =	ssyncset.done $0x0  }
0x80: {  	s23 =	simm.s32 $0x200;
	[sflag:s12] =	ssyncadd.s32 $0xFFFFE000  }
0x81: {  	[tilespmem:s0], [sflag:$0x2] =	stream.indirect.gather [hbm4b:s4+s30], $0x80, s23, s30, $0xb8;
	[tilespmem:$0x1F000] =	vst v63  }
0x82: {  	_ =	swait.ge [sflag:s26], $0x2000  }
0x83: {  	[sflag:s26] =	ssyncset.done $0x0  }
0x84: {  	s24 =	simm.s32 $0x2980;
	[sflag:s26] =	ssyncadd.s32 $0xFFFFE000  }
0x85: {  	[spmem:s1] =	stream.indirect.scatter.add.f32 [tilespmem:s25], [sflag:$0x4], $0x80, s24, s30, $0xb8;
	[tilespmem:$0x1F000] =	vst v63  }
0x86: {  	_ =	swait.ge [sflag:s13], $0x2000  }
0x87: {  	[sflag:s13] =	ssyncset.done $0x0  }
0x88: {  	s22 =	simm.s32 $0x600;
	s23 =	simm.s32 $0x280;
	[sflag:s13] =	ssyncadd.s32 $0xFFFFE000  }
.LBB2_4:
0x89: {  	[tilespmem:s2], [sflag:$0x3] =	stream.indirect.gather [hbm4b:s4+s30], $0x80, s23, s30, $0xb8;
	[tilespmem:$0x1F000] =	vst v63  }
0x8a: {  	s23 =	smov.u32 s22  }
0x8b: {  	p0 =	sne.s32 s22, $0x9000;
	s22 =	sadd.s32 $0x600, s22;
	_ =	swait.ge [sflag:s6], $0x2000  }
0x8c: {  	s23 =	sshra.s32 s23, $0x2;
	[sflag:s6] =	ssyncset.done $0x0  }
0x8d: {  	s24 =	sadd.s32 $0x2880, s23;
	[sflag:s6] =	ssyncadd.s32 $0xFFFFE000  }
0x8e: {  	[spmem:s1] =	stream.indirect.scatter.add.f32 [tilespmem:s0], [sflag:$0x5], $0x80, s24, s30, $0xb8;
	[tilespmem:$0x1F000] =	vst v63  }
0x8f: {  	_ =	swait.ge [sflag:s8], $0x2000  }
0x90: {  	[sflag:s8] =	ssyncset.done $0x0  }
0x91: {  	s24 =	sadd.s32 $0x180, s23;
	[sflag:s8] =	ssyncadd.s32 $0xFFFFE000  }
0x92: {  	[tilespmem:s25], [sflag:$0x1] =	stream.indirect.gather [hbm4b:s4+s30], $0x80, s24, s30, $0xb8;
	[tilespmem:$0x1F000] =	vst v63  }
0x93: {  	_ =	swait.ge [sflag:s10], $0x2000  }
0x94: {  	[sflag:s10] =	ssyncset.done $0x0  }
0x95: {  	s24 =	sadd.s32 $0x2900, s23;
	[sflag:s10] =	ssyncadd.s32 $0xFFFFE000  }
0x96: {  	[spmem:s1] =	stream.indirect.scatter.add.f32 [tilespmem:s2], [sflag:$0x6], $0x80, s24, s30, $0xb8;
	[tilespmem:$0x1F000] =	vst v63  }
0x97: {  	_ =	swait.ge [sflag:s12], $0x2000  }
0x98: {  	[sflag:s12] =	ssyncset.done $0x0  }
0x99: {  	s24 =	sadd.s32 $0x200, s23;
	[sflag:s12] =	ssyncadd.s32 $0xFFFFE000  }
0x9a: {  	[tilespmem:s0], [sflag:$0x2] =	stream.indirect.gather [hbm4b:s4+s30], $0x80, s24, s30, $0xb8;
	[tilespmem:$0x1F000] =	vst v63  }
0x9b: {  	_ =	swait.ge [sflag:s26], $0x2000  }
0x9c: {  	[sflag:s26] =	ssyncset.done $0x0  }
.Ltmp1:
0x9d: {  	s24 =	sadd.s32 $0x2980, s23;
	[sflag:s26] =	ssyncadd.s32 $0xFFFFE000;
	(pc) =	sbr.rel @p0 .LBB2_4-.Ltmp1, $4  }
0x9e: {  	[spmem:s1] =	stream.indirect.scatter.add.f32 [tilespmem:s25], [sflag:$0x4], $0x80, s24, s30, $0xb8;
	[tilespmem:$0x1F000] =	vst v63  }
0x9f: {  	_ =	swait.ge [sflag:s13], $0x2000  }
0xa0: {  	[sflag:s13] =	ssyncset.done $0x0  }
0xa1: {  	s23 =	sadd.s32 $0x280, s23;
	[sflag:s13] =	ssyncadd.s32 $0xFFFFE000  }
0xa2: {  	[tilespmem:s2], [sflag:$0x3] =	stream.indirect.gather [hbm4b:s4+s30], $0x80, s23, s30, $0xb8;
	[tilespmem:$0x1F000] =	vst v63  }
0xa3: {  	_ =	swait.ge [sflag:s6], $0x2000  }
0xa4: {  	[sflag:s6] =	ssyncset.done $0x0  }
0xa5: {  	[sflag:s6] =	ssyncadd.s32 $0xFFFFE000  }
0xa6: {  	[spmem:s1] =	stream.indirect.scatter.add.f32 [tilespmem:s0], [sflag:$0x5], $0x80, s14, s30, $0xb8;
	[tilespmem:$0x1F000] =	vst v63  }
0xa7: {  	_ =	swait.ge [sflag:s8], $0x2000  }
0xa8: {  	[sflag:s8] =	ssyncset.done $0x0  }
0xa9: {  	[sflag:s8] =	ssyncadd.s32 $0xFFFFE000  }
0xaa: {  	[tilespmem:s25], [sflag:$0x1] =	stream.indirect.gather [hbm4b:s4+s30], $0x80, s15, s30, $0xb8;
	[tilespmem:$0x1F000] =	vst v63  }
0xab: {  	_ =	swait.ge [sflag:s10], $0x2000  }
0xac: {  	[sflag:s10] =	ssyncset.done $0x0  }
0xad: {  	[sflag:s10] =	ssyncadd.s32 $0xFFFFE000  }
0xae: {  	[spmem:s1] =	stream.indirect.scatter.add.f32 [tilespmem:s2], [sflag:$0x6], $0x80, s16, s30, $0xb8;
	[tilespmem:$0x1F000] =	vst v63  }
0xaf: {  	_ =	swait.ge [sflag:s12], $0x2000  }
0xb0: {  	[sflag:s12] =	ssyncset.done $0x0  }
0xb1: {  	[sflag:s12] =	ssyncadd.s32 $0xFFFFE000  }
0xb2: {  	[tilespmem:s0], [sflag:$0x2] =	stream.indirect.gather [hbm4b:s4+s30], $0x80, s18, s30, $0xb8;
	[tilespmem:$0x1F000] =	vst v63  }
0xb3: {  	_ =	swait.ge [sflag:s26], $0x2000  }
0xb4: {  	[sflag:s26] =	ssyncset.done $0x0  }
0xb5: {  	[sflag:s26] =	ssyncadd.s32 $0xFFFFE000  }
0xb6: {  	[spmem:s1] =	stream.indirect.scatter.add.f32 [tilespmem:s25], [sflag:$0x4], $0x80, s19, s30, $0xb8;
	[tilespmem:$0x1F000] =	vst v63  }
0xb7: {  	_ =	swait.ge [sflag:s13], $0x2000  }
0xb8: {  	[sflag:s13] =	ssyncset.done $0x0  }
0xb9: {  	[sflag:s13] =	ssyncadd.s32 $0xFFFFE000  }
0xba: {  	_ =	swait.ge [sflag:s6], $0x2000  }
0xbb: {  	[sflag:s6] =	ssyncset.done $0x0  }
0xbc: {  	[sflag:s6] =	ssyncadd.s32 $0xFFFFE000  }
0xbd: {  	[spmem:s1] =	stream.indirect.scatter.add.f32 [tilespmem:s0], [sflag:$0x5], $0x80, s20, s30, $0xb8;
	[tilespmem:$0x1F000] =	vst v63  }
0xbe: {  	_ =	swait.ge [sflag:s8], $0x2000  }
0xbf: {  	[sflag:s8] =	ssyncset.done $0x0  }
0xc0: {  	[sflag:s8] =	ssyncadd.s32 $0xFFFFE000  }
0xc1: {  	_ =	swait.ge [sflag:s12], $0x2000  }
0xc2: {  	[sflag:s12] =	ssyncset.done $0x0  }
0xc3: {  	s22 =	simm.s32 $0x0;
	s24 =	rddreg [dreg:$0xa];
	[sflag:s12] =	ssyncadd.s32 $0xFFFFE000  }
0xc4: {  	[tilespmem:s22], [sflag:$0x7] =	stream.linear.gather [hbm4b:s24+s22], $0x2800, $0x38;
	[tilespmem:$0x1F000] =	vst v63  }
0xc5: {  	_ =	swait.ge [sflag:s28], $0x2800  }
0xc6: {  	[sflag:s28] =	ssyncset.done $0x0  }
0xc7: {  	s24 =	rddreg [dreg:$0xb];
	[sflag:s28] =	ssyncadd.s32 $0xFFFFD800  }
0xc8: {  	[tilespmem:s29], [sflag:$0x7] =	stream.linear.gather [hbm4b:s24+s22], $0x2800, $0x38;
	[tilespmem:$0x1F000] =	vst v63  }
0xc9: {  	_ =	swait.ge [sflag:s28], $0x2800  }
0xca: {  	[sflag:s28] =	ssyncset.done $0x0  }
0xcb: {  	[sflag:s28] =	ssyncadd.s32 $0xFFFFD800  }
0xcc: {  	[tilespmem:s25], [sflag:$0x1] =	stream.indirect.gather [hbm4b:s4+s30], $0x80, s22, s30, $0xb8;
	[tilespmem:$0x1F000] =	vst v63  }
0xcd: {  	_ = 	snop  }
0xce: {  	[tilespmem:s0], [sflag:$0x2] =	stream.indirect.gather [hbm4b:s4+s30], $0x80, s31, s30, $0xb8;
	[tilespmem:$0x1F000] =	vst v63  }
0xcf: {  	_ =	swait.ge [sflag:s26], $0x2000  }
0xd0: {  	[sflag:s26] =	ssyncset.done $0x0  }
0xd1: {  	[sflag:s26] =	ssyncadd.s32 $0xFFFFE000  }
0xd2: {  	[spmem:s1] =	stream.indirect.scatter.add.f32 [tilespmem:s25], [sflag:$0x4], $0x80, s29, s30, $0xb8;
	[tilespmem:$0x1F000] =	vst v63  }
0xd3: {  	_ = 	snop  }
0xd4: {  	[tilespmem:s2], [sflag:$0x3] =	stream.indirect.gather [hbm4b:s4+s30], $0x80, s3, s30, $0xb8;
	[tilespmem:$0x1F000] =	vst v63  }
0xd5: {  	_ =	swait.ge [sflag:s6], $0x2000  }
0xd6: {  	[sflag:s6] =	ssyncset.done $0x0  }
0xd7: {  	s24 =	simm.s32 $0x2880;
	[sflag:s6] =	ssyncadd.s32 $0xFFFFE000  }
0xd8: {  	[spmem:s1] =	stream.indirect.scatter.add.f32 [tilespmem:s0], [sflag:$0x5], $0x80, s24, s30, $0xb8;
	[tilespmem:$0x1F000] =	vst v63  }
0xd9: {  	_ =	swait.ge [sflag:s8], $0x2000  }
0xda: {  	[sflag:s8] =	ssyncset.done $0x0  }
0xdb: {  	s31 =	simm.s32 $0x180;
	[sflag:s8] =	ssyncadd.s32 $0xFFFFE000  }
0xdc: {  	[tilespmem:s25], [sflag:$0x1] =	stream.indirect.gather [hbm4b:s4+s30], $0x80, s31, s30, $0xb8;
	[tilespmem:$0x1F000] =	vst v63  }
0xdd: {  	_ =	swait.ge [sflag:s10], $0x2000  }
0xde: {  	[sflag:s10] =	ssyncset.done $0x0  }
0xdf: {  	s23 =	simm.s32 $0x2900;
	[sflag:s10] =	ssyncadd.s32 $0xFFFFE000  }
0xe0: {  	[spmem:s1] =	stream.indirect.scatter.add.f32 [tilespmem:s2], [sflag:$0x6], $0x80, s23, s30, $0xb8;
	[tilespmem:$0x1F000] =	vst v63  }
0xe1: {  	_ =	swait.ge [sflag:s12], $0x2000  }
0xe2: {  	[sflag:s12] =	ssyncset.done $0x0  }
0xe3: {  	s24 =	simm.s32 $0x200;
	[sflag:s12] =	ssyncadd.s32 $0xFFFFE000  }
0xe4: {  	[tilespmem:s0], [sflag:$0x2] =	stream.indirect.gather [hbm4b:s4+s30], $0x80, s24, s30, $0xb8;
	[tilespmem:$0x1F000] =	vst v63  }
0xe5: {  	_ =	swait.ge [sflag:s26], $0x2000  }
0xe6: {  	[sflag:s26] =	ssyncset.done $0x0  }
0xe7: {  	s31 =	simm.s32 $0x2980;
	[sflag:s26] =	ssyncadd.s32 $0xFFFFE000  }
0xe8: {  	[spmem:s1] =	stream.indirect.scatter.add.f32 [tilespmem:s25], [sflag:$0x4], $0x80, s31, s30, $0xb8;
	[tilespmem:$0x1F000] =	vst v63  }
0xe9: {  	_ =	swait.ge [sflag:s13], $0x2000  }
0xea: {  	[sflag:s13] =	ssyncset.done $0x0  }
0xeb: {  	s22 =	simm.s32 $0x600;
	s23 =	simm.s32 $0x280;
	[sflag:s13] =	ssyncadd.s32 $0xFFFFE000  }
.LBB2_6:
0xec: {  	[tilespmem:s2], [sflag:$0x3] =	stream.indirect.gather [hbm4b:s4+s30], $0x80, s23, s30, $0xb8;
	[tilespmem:$0x1F000] =	vst v63  }
0xed: {  	s23 =	smov.u32 s22  }
0xee: {  	p0 =	sne.s32 s22, $0x9000;
	s22 =	sadd.s32 $0x600, s22;
	_ =	swait.ge [sflag:s6], $0x2000  }
0xef: {  	s23 =	sshra.s32 s23, $0x2;
	[sflag:s6] =	ssyncset.done $0x0  }
0xf0: {  	s24 =	sadd.s32 $0x2880, s23;
	[sflag:s6] =	ssyncadd.s32 $0xFFFFE000  }
0xf1: {  	[spmem:s1] =	stream.indirect.scatter.add.f32 [tilespmem:s0], [sflag:$0x5], $0x80, s24, s30, $0xb8;
	[tilespmem:$0x1F000] =	vst v63  }
0xf2: {  	_ =	swait.ge [sflag:s8], $0x2000  }
0xf3: {  	[sflag:s8] =	ssyncset.done $0x0  }
0xf4: {  	s24 =	sadd.s32 $0x180, s23;
	[sflag:s8] =	ssyncadd.s32 $0xFFFFE000  }
0xf5: {  	[tilespmem:s25], [sflag:$0x1] =	stream.indirect.gather [hbm4b:s4+s30], $0x80, s24, s30, $0xb8;
	[tilespmem:$0x1F000] =	vst v63  }
0xf6: {  	_ =	swait.ge [sflag:s10], $0x2000  }
0xf7: {  	[sflag:s10] =	ssyncset.done $0x0  }
0xf8: {  	s24 =	sadd.s32 $0x2900, s23;
	[sflag:s10] =	ssyncadd.s32 $0xFFFFE000  }
0xf9: {  	[spmem:s1] =	stream.indirect.scatter.add.f32 [tilespmem:s2], [sflag:$0x6], $0x80, s24, s30, $0xb8;
	[tilespmem:$0x1F000] =	vst v63  }
0xfa: {  	_ =	swait.ge [sflag:s12], $0x2000  }
0xfb: {  	[sflag:s12] =	ssyncset.done $0x0  }
0xfc: {  	s24 =	sadd.s32 $0x200, s23;
	[sflag:s12] =	ssyncadd.s32 $0xFFFFE000  }
0xfd: {  	[tilespmem:s0], [sflag:$0x2] =	stream.indirect.gather [hbm4b:s4+s30], $0x80, s24, s30, $0xb8;
	[tilespmem:$0x1F000] =	vst v63  }
0xfe: {  	_ =	swait.ge [sflag:s26], $0x2000  }
0xff: {  	[sflag:s26] =	ssyncset.done $0x0  }
.Ltmp2:
0x100: {  	s24 =	sadd.s32 $0x2980, s23;
	[sflag:s26] =	ssyncadd.s32 $0xFFFFE000;
	(pc) =	sbr.rel @p0 .LBB2_6-.Ltmp2, $4  }
0x101: {  	[spmem:s1] =	stream.indirect.scatter.add.f32 [tilespmem:s25], [sflag:$0x4], $0x80, s24, s30, $0xb8;
	[tilespmem:$0x1F000] =	vst v63  }
0x102: {  	_ =	swait.ge [sflag:s13], $0x2000  }
0x103: {  	[sflag:s13] =	ssyncset.done $0x0  }
0x104: {  	s23 =	sadd.s32 $0x280, s23;
	[sflag:s13] =	ssyncadd.s32 $0xFFFFE000  }
0x105: {  	[tilespmem:s2], [sflag:$0x3] =	stream.indirect.gather [hbm4b:s4+s30], $0x80, s23, s30, $0xb8;
	[tilespmem:$0x1F000] =	vst v63  }
0x106: {  	_ =	swait.ge [sflag:s6], $0x2000  }
0x107: {  	[sflag:s6] =	ssyncset.done $0x0  }
0x108: {  	[sflag:s6] =	ssyncadd.s32 $0xFFFFE000  }
0x109: {  	[spmem:s1] =	stream.indirect.scatter.add.f32 [tilespmem:s0], [sflag:$0x5], $0x80, s14, s30, $0xb8;
	[tilespmem:$0x1F000] =	vst v63  }
0x10a: {  	_ =	swait.ge [sflag:s8], $0x2000  }
0x10b: {  	[sflag:s8] =	ssyncset.done $0x0  }
0x10c: {  	[sflag:s8] =	ssyncadd.s32 $0xFFFFE000  }
0x10d: {  	[tilespmem:s25], [sflag:$0x1] =	stream.indirect.gather [hbm4b:s4+s30], $0x80, s15, s30, $0xb8;
	[tilespmem:$0x1F000] =	vst v63  }
0x10e: {  	_ =	swait.ge [sflag:s10], $0x2000  }
0x10f: {  	[sflag:s10] =	ssyncset.done $0x0  }
0x110: {  	[sflag:s10] =	ssyncadd.s32 $0xFFFFE000  }
0x111: {  	[spmem:s1] =	stream.indirect.scatter.add.f32 [tilespmem:s2], [sflag:$0x6], $0x80, s16, s30, $0xb8;
	[tilespmem:$0x1F000] =	vst v63  }
0x112: {  	_ =	swait.ge [sflag:s12], $0x2000  }
0x113: {  	[sflag:s12] =	ssyncset.done $0x0  }
0x114: {  	[sflag:s12] =	ssyncadd.s32 $0xFFFFE000  }
0x115: {  	[tilespmem:s0], [sflag:$0x2] =	stream.indirect.gather [hbm4b:s4+s30], $0x80, s18, s30, $0xb8;
	[tilespmem:$0x1F000] =	vst v63  }
0x116: {  	_ =	swait.ge [sflag:s26], $0x2000  }
0x117: {  	[sflag:s26] =	ssyncset.done $0x0  }
0x118: {  	[sflag:s26] =	ssyncadd.s32 $0xFFFFE000  }
0x119: {  	[spmem:s1] =	stream.indirect.scatter.add.f32 [tilespmem:s25], [sflag:$0x4], $0x80, s19, s30, $0xb8;
	[tilespmem:$0x1F000] =	vst v63  }
0x11a: {  	_ =	swait.ge [sflag:s13], $0x2000  }
0x11b: {  	[sflag:s13] =	ssyncset.done $0x0  }
0x11c: {  	[sflag:s13] =	ssyncadd.s32 $0xFFFFE000  }
0x11d: {  	_ =	swait.ge [sflag:s6], $0x2000  }
0x11e: {  	[sflag:s6] =	ssyncset.done $0x0  }
0x11f: {  	[sflag:s6] =	ssyncadd.s32 $0xFFFFE000  }
0x120: {  	[spmem:s1] =	stream.indirect.scatter.add.f32 [tilespmem:s0], [sflag:$0x5], $0x80, s20, s30, $0xb8;
	[tilespmem:$0x1F000] =	vst v63  }
0x121: {  	_ =	swait.ge [sflag:s8], $0x2000  }
0x122: {  	[sflag:s8] =	ssyncset.done $0x0  }
0x123: {  	[sflag:s8] =	ssyncadd.s32 $0xFFFFE000  }
0x124: {  	_ =	swait.ge [sflag:s12], $0x2000  }
0x125: {  	[sflag:s12] =	ssyncset.done $0x0  }
0x126: {  	s22 =	stileid.u32;
	[sflag:s12] =	ssyncadd.s32 $0xFFFFE000  }
0x127: {  	s22 =	sshll.u32 s22, $0x6;
	[bflag:$0x0] =	sbarrier.arrive $0xFFFF  }
0x128: {  	s31 =	sshrl.u32 s5, $0x3;
	s22 =	sor.u32 $0x1C01, s22;
	s24 =	rddreg [dreg:$0xd]  }
0x129: {  	[hbm:s24], [sflag:s22] =	dma.local [spmem:s31], $0x800  }
0x12a: {  	s31 =	sshrl.u32 s7, $0x3;
	s24 =	rddreg [dreg:$0xe]  }
0x12b: {  	[hbm:s24], [sflag:s22] =	dma.local [spmem:s31], $0x800  }
0x12c: {  	s31 =	sshrl.u32 s9, $0x3;
	s24 =	rddreg [dreg:$0xf]  }
0x12d: {  	[hbm:s24], [sflag:s22] =	dma.local [spmem:s31], $0x800  }
0x12e: {  	s31 =	sshrl.u32 s11, $0x3;
	s24 =	rddreg [dreg:$0x10]  }
0x12f: {  	[hbm:s24], [sflag:s22] =	dma.local [spmem:s31], $0x800  }
0x130: {  	s31 =	sshrl.u32 s17, $0x3;
	s24 =	rddreg [dreg:$0x11]  }
0x131: {  	[hbm:s24], [sflag:s22] =	dma.local [spmem:s31], $0x800  }
0x132: {  	_ =	swait.ge [sflag:s26], $0x800  }
0x133: {  	[sflag:s26] =	ssyncset.done $0x0  }
0x134: {  	[sflag:s26] =	ssyncadd.s32 $0xFFFFF800  }
0x135: {  	_ =	swait.ge [sflag:s26], $0x800  }
0x136: {  	[sflag:s26] =	ssyncset.done $0x0  }
0x137: {  	[sflag:s26] =	ssyncadd.s32 $0xFFFFF800  }
0x138: {  	_ =	swait.ge [sflag:s26], $0x800  }
0x139: {  	[sflag:s26] =	ssyncset.done $0x0  }
0x13a: {  	[sflag:s26] =	ssyncadd.s32 $0xFFFFF800  }
0x13b: {  	_ =	swait.ge [sflag:s26], $0x800  }
0x13c: {  	[sflag:s26] =	ssyncset.done $0x0  }
0x13d: {  	[sflag:s26] =	ssyncadd.s32 $0xFFFFF800  }
0x13e: {  	_ =	swait.ge [sflag:s26], $0x800  }
0x13f: {  	s21 =	sadd.s32 $0x1, s21;
	s31 =	rddreg [dreg:$0x12]  }
0x140: {  	p0 =	sne.s32 s21, s31  }
.Ltmp3:
0x141: {  	_ = 	snop;
	(pc) =	sbr.rel @p0 .LBB2_1-.Ltmp3, $3  }
0x142: {  	_ =	sdelay $0x1  }
0x143: {  	[sflag:s26] =	ssyncset.done $0x0  }
0x144: {  	[sflag:s26] =	ssyncadd.s32 $0xFFFFF800  }
0x145: {  	_ =	sfence.sel $0x180000  }
0x146: {  	[bflag:$0x0] =	sbarrier.arrive $0xFFFF  }
0x147: {  	_ =	strace $0x9000004A  }
0x148: {  	s0 =	stileid.u32;
	[bflag:$0x2] =	sbarrier.arrive $0xFFFF  }
0x149: {  	p0 =	sne.s32 s0, $0x0;
	s0 =	rddreg [dreg:$0x3]  }
0x14a: {  	s0 =	sadd.s32 @!p0 $0x100000, s0  }
0x14b: {  	[sflag:s0] =	ssyncadd.tile.s32 @!p0 $0x1;
	_ =	shalt  }
.Lfunc_end2:
_tile_overlayer_lowered:
.L_overlay_start_2:
0x14c: {  	(tag) =	ssettag $0x2  }
0x14d: {  	s0 =	rddreg [dreg:$0x0];
	s2 =	stileid.u32  }
0x14e: {  	s1 =	rddreg [dreg:$0x1];
	p0 =	sne.s32 s2, $0x0  }
0x14f: {  	s3 =	rddreg [dreg:$0x2];
	[bflag:$0x3] =	sbarrier.arrive $0xFFFF;
	s2 =	simm.s32 @!p0 $0x1C07  }
0x150: {  	[timem:s3], [sflag:s2] =	dma.local @!p0 [hbm:s0], s1  }
0x151: {  	s0 =	simm.s32 @!p0 $0x7  }
0x152: {  	_ =	swait.ge @!p0 [sflag:s0], s1  }
0x153: {  	s1 =	ssub.s32 @!p0 $0x0, s1;
	[sflag:s0] =	ssyncset.done @!p0 $0x0  }
0x154: {  	[sflag:s0] =	ssyncadd.s32 @!p0 s1  }
0x155: {  	[bflag:$0x3] =	sbarrier.arrive $0xFFFF  }
0x156: {  	_ =	shalt  }

</sc_bundles>
